<compile_context>
chip_gen: v7x
topology: tpu7x:2x2x1
jax: 0.10.2.dev20260603
libtpu: 0.0.44.dev20260713+nightly
codegen_flags: <defaults>
</compile_context>

<pallas_src>
import functools

import jax
import jax.numpy as jnp
from jax import lax
from jax.experimental import pallas as pl
from jax.experimental.pallas import tpu as pltpu
from jax.experimental.pallas import tpu_sc as plsc

B = 16384
V = 100000
D = 64
H = 32
NUM_SLOTS = 10
E = D * NUM_SLOTS

NC = 2
NS = 16
NW = NC * NS

PH = 1
BP = B // PH

TOTAL_ROWS = BP * NUM_SLOTS
ROWS_PER_W = TOTAL_ROWS // NW
CH = 128
NCH = ROWS_PER_W // CH

BLK = 512

B_PER_W = BP // NW
PAIR_CH = NCH // 5


def _sc_gather(table, blue_flat, red_flat):
    mesh = plsc.VectorSubcoreMesh(core_axis_name="c", subcore_axis_name="s")

    @functools.partial(
        pl.kernel,
        out_type=jax.ShapeDtypeStruct((TOTAL_ROWS, D), jnp.float32),
        mesh=mesh,
        scratch_types=[
            pltpu.VMEM((B_PER_W * 5,), jnp.int32),
            pltpu.VMEM((B_PER_W * 5,), jnp.int32),
            pltpu.VMEM((NCH, CH), jnp.int32),
            pltpu.VMEM((CH, D), jnp.float32),
            pltpu.VMEM((CH, D), jnp.float32),
            pltpu.SemaphoreType.DMA,
            pltpu.SemaphoreType.DMA,
        ],
        compiler_params=pltpu.CompilerParams(
            use_tc_tiling_on_sc=False, needs_layout_passes=False),
    )
    def gather_kernel(table_hbm, blue_hbm, red_hbm, out_hbm,
                      bidx_v, ridx_v, gidx_v, rows0, rows1, sem0, sem1):
        wid = lax.axis_index("s") * NC + lax.axis_index("c")
        b0 = wid * B_PER_W
        pltpu.sync_copy(blue_hbm.at[pl.ds(b0 * 5, B_PER_W * 5)], bidx_v)
        pltpu.sync_copy(red_hbm.at[pl.ds(b0 * 5, B_PER_W * 5)], ridx_v)

        lane = lax.iota(jnp.int32, 16)

        def build_chunk(k):
            p = k // PAIR_CH
            ko = k - p * PAIR_CH
            lrow = (lane >> 1) + ko * (CH // 2)
            hsel = lane & 1
            slot = 2 * p + hsel
            sb = jnp.minimum(slot, 4)
            sr = jnp.maximum(slot - 5, 0)
            use_blue = slot < 5
            for t in range(CH // 16):
                lb = lrow + 8 * t
                vb = plsc.load_gather(bidx_v, [lb * 5 + sb])
                vr = plsc.load_gather(ridx_v, [lb * 5 + sr])
                vals = jnp.where(use_blue, vb, vr)
                gidx_v[k, pl.ds(t * 16, 16)] = vals

        def out_base(j):
            p = j // PAIR_CH
            ko = j - p * PAIR_CH
            return p * (2 * BP) + b0 * 2 + ko * CH

        rows = (rows0, rows1)
        sems = (sem0, sem1)

        build_chunk(0)
        pltpu.async_copy(table_hbm.at[gidx_v.at[0]], rows0, sem0)

        def body(j, _):
            slot = lax.rem(j, 2)
            nxt = lax.rem(j + 1, 2)

            @pl.when(j + 1 < NCH)
            def _():
                build_chunk(j + 1)
                for s in range(2):
                    @pl.when(nxt == s)
                    def _():
                        pltpu.async_copy(
                            table_hbm.at[gidx_v.at[j + 1]], rows[s], sems[s]
                        )

            for s in range(2):
                @pl.when(slot == s)
                def _():
                    pltpu.make_async_copy(
                        table_hbm.at[gidx_v.at[j]], rows[s], sems[s]
                    ).wait()
                    pltpu.sync_copy(rows[s], out_hbm.at[pl.ds(out_base(j), CH)])
            return 0

        lax.fori_loop(0, NCH, body, 0, unroll=False)

    return gather_kernel(table, blue_flat, red_flat)


def _mlp_block(g_ref, bh_ref, rh_ref, w1b_ref, w1r_ref, w1e_ref, b1_ref,
               w2_ref, b2_ref, w3_ref, b3_ref, o_ref):
    h1 = jnp.dot(bh_ref[...], w1b_ref[...], preferred_element_type=jnp.float32)
    h1 += jnp.dot(rh_ref[...], w1r_ref[...], preferred_element_type=jnp.float32)
    for p in range(5):
        h1 += jnp.dot(g_ref[p].astype(jnp.bfloat16),
                      w1e_ref[p].astype(jnp.bfloat16),
                      preferred_element_type=jnp.float32)
    h1 = jnp.maximum(h1 + b1_ref[...], 0.0)
    h2 = jnp.dot(h1, w2_ref[...], preferred_element_type=jnp.float32)
    h2 = jnp.maximum(h2 + b2_ref[...], 0.0)
    z = jnp.dot(h2, w3_ref[...], preferred_element_type=jnp.float32) + b3_ref[...]
    o_ref[...] = jax.nn.sigmoid(z)


def _tc_mlp(g3, bh, rh, W1b, W1r, W1e3, b1, W2, b2, W3, b3):
    grid = (BP // BLK,)
    return pl.pallas_call(
        _mlp_block,
        grid=grid,
        in_specs=[
            pl.BlockSpec((5, BLK, 128), lambda i: (0, i, 0)),
            pl.BlockSpec((BLK, H), lambda i: (i, 0)),
            pl.BlockSpec((BLK, H), lambda i: (i, 0)),
            pl.BlockSpec((H, 256), lambda i: (0, 0)),
            pl.BlockSpec((H, 256), lambda i: (0, 0)),
            pl.BlockSpec((5, 128, 256), lambda i: (0, 0, 0)),
            pl.BlockSpec((1, 256), lambda i: (0, 0)),
            pl.BlockSpec((256, 128), lambda i: (0, 0)),
            pl.BlockSpec((1, 128), lambda i: (0, 0)),
            pl.BlockSpec((128, 1), lambda i: (0, 0)),
            pl.BlockSpec((1, 1), lambda i: (0, 0)),
        ],
        out_specs=pl.BlockSpec((BLK, 1), lambda i: (i, 0)),
        out_shape=jax.ShapeDtypeStruct((BP, 1), jnp.float32),
    )(g3, bh, rh, W1b, W1r, W1e3, b1, W2, b2, W3, b3)


@jax.jit
def kernel(blue_team_indices, red_team_indices, blue_heuristics,
           red_heuristics, table, W1, b1, W2, b2, W3, b3):
    blue_flat = blue_team_indices.astype(jnp.int32).reshape(-1)
    red_flat = red_team_indices.astype(jnp.int32).reshape(-1)
    W1e3 = W1[:E].reshape(5, 2 * D, 256)
    W1b = W1[E:E + H]
    W1r = W1[E + H:]
    b1r = b1.reshape(1, 256)
    b2r = b2.reshape(1, 128)
    b3r = b3.reshape(1, 1)
    outs = []
    for k in range(PH):
        rows = _sc_gather(table,
                          blue_flat[k * BP * 5:(k + 1) * BP * 5],
                          red_flat[k * BP * 5:(k + 1) * BP * 5])
        g3 = rows.reshape(5, BP, 2 * D)
        outs.append(_tc_mlp(
            g3,
            blue_heuristics[k * BP:(k + 1) * BP],
            red_heuristics[k * BP:(k + 1) * BP],
            W1b, W1r, W1e3, b1r, W2, b2r, W3, b3r,
        ))
    return jnp.concatenate(outs, axis=0)

# --- scband reference (transcript-rebuilt; emitter-appended) ---
"""Pipeline reference for scband-lo-lmatch-predictor-87780541595798 (READ-ONLY COPY).

The authoritative reference and input builder live on the scoring server;
editing this copy changes nothing except your own understanding.
"""

import jax, jax.numpy as jnp
import numpy as np

B = 16384
V = 100000
D = 64
H = 32
IN_DIM = D * 5 * 2 + H * 2


def setup_inputs(seed: int = 0) -> dict:
    key = jax.random.key(seed)
    ks = jax.random.split(key, 12)
    blue_team_indices = jax.random.randint(ks[0], (B, 5), 0, V, dtype=jnp.int64 if jax.config.jax_enable_x64 else jnp.int32)
    red_team_indices = jax.random.randint(ks[1], (B, 5), 0, V, dtype=jnp.int64 if jax.config.jax_enable_x64 else jnp.int32)
    blue_heuristics = jax.random.normal(ks[2], (B, H), dtype=jnp.float32)
    red_heuristics = jax.random.normal(ks[3], (B, H), dtype=jnp.float32)
    table = jax.random.normal(ks[4], (V, D), dtype=jnp.float32) * 0.02
    W1 = jax.random.normal(ks[5], (IN_DIM, 256), dtype=jnp.float32) * (1.0 / np.sqrt(IN_DIM))
    b1 = jnp.zeros((256,), dtype=jnp.float32)
    W2 = jax.random.normal(ks[6], (256, 128), dtype=jnp.float32) * (1.0 / np.sqrt(256))
    b2 = jnp.zeros((128,), dtype=jnp.float32)
    W3 = jax.random.normal(ks[7], (128, 1), dtype=jnp.float32) * (1.0 / np.sqrt(128))
    b3 = jnp.zeros((1,), dtype=jnp.float32)
    return {
        'blue_team_indices': blue_team_indices,
        'red_team_indices': red_team_indices,
        'blue_heuristics': blue_heuristics,
        'red_heuristics': red_heuristics,
        'table': table,
        'W1': W1, 'b1': b1,
        'W2': W2, 'b2': b2,
        'W3': W3, 'b3': b3,
    }


def reference(blue_team_indices, red_team_indices, blue_heuristics, red_heuristics, table, W1, b1, W2, b2, W3, b3):
    blue_embeds = jnp.take(table, blue_team_indices, axis=0)  # [B, 5, D]
    red_embeds = jnp.take(table, red_team_indices, axis=0)    # [B, 5, D]
    blue_embeds = blue_embeds.reshape(blue_embeds.shape[0], -1)
    red_embeds = red_embeds.reshape(red_embeds.shape[0], -1)
    x = jnp.concatenate([blue_embeds, red_embeds, blue_heuristics, red_heuristics], axis=1)
    x = jax.nn.relu(x @ W1 + b1)
    x = jax.nn.relu(x @ W2 + b2)
    x = jax.nn.sigmoid(x @ W3 + b3)
    return x

if __name__ == "__main__":
    import jax
    _d = setup_inputs()
    print(jax.jit(kernel)(*tuple(_d.values())))

</pallas_src>

<mosaic_0001>
#map = affine_map<(d0, d1) -> (0, 0)>
#map1 = affine_map<(d0, d1) -> (0)>
module attributes {stable_mosaic.version = 14 : i64} {
  func.func @gather_kernel(%arg0: i32, %arg1: i32, %arg2: memref<100000x64xf32, #tpu.memory_space<hbm>>, %arg3: memref<81920xi32, #tpu.memory_space<hbm>>, %arg4: memref<81920xi32, #tpu.memory_space<hbm>>, %arg5: memref<163840x64xf32, #tpu.memory_space<hbm>>, %arg6: memref<2560xi32, #tpu.memory_space<vmem>>, %arg7: memref<2560xi32, #tpu.memory_space<vmem>>, %arg8: memref<40x128xi32, #tpu.memory_space<vmem>>, %arg9: memref<128x64xf32, #tpu.memory_space<vmem>>, %arg10: memref<128x64xf32, #tpu.memory_space<vmem>>, %arg11: memref<!tpu.dma_semaphore, #tpu.memory_space<semaphore_mem>>, %arg12: memref<!tpu.dma_semaphore, #tpu.memory_space<semaphore_mem>>) attributes {dimension_semantics = [#tpu.dimension_semantics<core_parallel>, #tpu.dimension_semantics<subcore_parallel>], iteration_bounds = array<i64: 2, 16>, scalar_prefetch = 0 : i64, scratch_operands = 7 : i64, tpu.core_type = #tpu.core_type<sc_vector_subcore>, window_params = [{transform_indices = #map}, {transform_indices = #map1}, {transform_indices = #map1}, {transform_indices = #map}]} {
    %mul3A = arith.constant 2 : i32
    %mul3A_0 = arith.muli %arg1, %mul3A : i32
    %add3A = arith.addi %mul3A_0, %arg0 : i32
    %mul3A_1 = arith.constant 512 : i32
    %mul3A_2 = arith.muli %add3A, %mul3A_1 : i32
    %mul3A_3 = arith.constant 5 : i32
    %mul3A_4 = arith.muli %mul3A_2, %mul3A_3 : i32
    "tpu.region"() ({
      %run_scoped3A = tpu.sem_alloc : memref<!tpu.dma_semaphore, #tpu.memory_space<semaphore_mem>>
      %dma_start3A_178 = tpu.memref_slice %arg3[%mul3A_4] : memref<81920xi32, #tpu.memory_space<hbm>> -> memref<2560xi32, #tpu.memory_space<hbm>>
      %dma_start3A_179 = tpu.memref_slice %arg3[%mul3A_4] : memref<81920xi32, #tpu.memory_space<hbm>> -> memref<2560xi32, #tpu.memory_space<hbm>>
      tpu.enqueue_dma source(%dma_start3A_179 : memref<2560xi32, #tpu.memory_space<hbm>>) target(%arg6 : memref<2560xi32, #tpu.memory_space<vmem>>) target_semaphore(%run_scoped3A : memref<!tpu.dma_semaphore, #tpu.memory_space<semaphore_mem>>)
      %dma_wait3A = tpu.memref_slice %arg3[%mul3A_4] : memref<81920xi32, #tpu.memory_space<hbm>> -> memref<2560xi32, #tpu.memory_space<hbm>>
      %dma_wait3A_180 = tpu.memref_slice %arg3[%mul3A_4] : memref<81920xi32, #tpu.memory_space<hbm>> -> memref<2560xi32, #tpu.memory_space<hbm>>
      tpu.wait_dma2 semaphore(%run_scoped3A : memref<!tpu.dma_semaphore, #tpu.memory_space<semaphore_mem>>) src(%dma_wait3A_180 : memref<2560xi32, #tpu.memory_space<hbm>>) dst(%arg6 : memref<2560xi32, #tpu.memory_space<vmem>>)
      tpu.yield
    }) : () -> ()
    %mul3A_5 = arith.constant 5 : i32
    %mul3A_6 = arith.muli %mul3A_2, %mul3A_5 : i32
    "tpu.region"() ({
      %run_scoped3A = tpu.sem_alloc : memref<!tpu.dma_semaphore, #tpu.memory_space<semaphore_mem>>
      %dma_start3A_178 = tpu.memref_slice %arg4[%mul3A_6] : memref<81920xi32, #tpu.memory_space<hbm>> -> memref<2560xi32, #tpu.memory_space<hbm>>
      %dma_start3A_179 = tpu.memref_slice %arg4[%mul3A_6] : memref<81920xi32, #tpu.memory_space<hbm>> -> memref<2560xi32, #tpu.memory_space<hbm>>
      tpu.enqueue_dma source(%dma_start3A_179 : memref<2560xi32, #tpu.memory_space<hbm>>) target(%arg7 : memref<2560xi32, #tpu.memory_space<vmem>>) target_semaphore(%run_scoped3A : memref<!tpu.dma_semaphore, #tpu.memory_space<semaphore_mem>>)
      %dma_wait3A = tpu.memref_slice %arg4[%mul3A_6] : memref<81920xi32, #tpu.memory_space<hbm>> -> memref<2560xi32, #tpu.memory_space<hbm>>
      %dma_wait3A_180 = tpu.memref_slice %arg4[%mul3A_6] : memref<81920xi32, #tpu.memory_space<hbm>> -> memref<2560xi32, #tpu.memory_space<hbm>>
      tpu.wait_dma2 semaphore(%run_scoped3A : memref<!tpu.dma_semaphore, #tpu.memory_space<semaphore_mem>>) src(%dma_wait3A_180 : memref<2560xi32, #tpu.memory_space<hbm>>) dst(%arg7 : memref<2560xi32, #tpu.memory_space<vmem>>)
      tpu.yield
    }) : () -> ()
    %iota3A = tpu.iota {dimensions = array<i32: 0>} : vector<16xi32>
    %shift_right_arithmetic3A = arith.constant 1 : i32
    %shift_right_arithmetic3A_7 = vector.broadcast %shift_right_arithmetic3A : i32 to vector<16xi32>
    %shift_right_arithmetic3A_8 = arith.shrsi %iota3A, %shift_right_arithmetic3A_7 : vector<16xi32>
    %add3A_9 = arith.constant 0 : i32
    %add3A_10 = vector.broadcast %add3A_9 : i32 to vector<16xi32>
    %add3A_11 = arith.addi %shift_right_arithmetic3A_8, %add3A_10 : vector<16xi32>
    %and3A = arith.constant 1 : i32
    %and3A_12 = vector.broadcast %and3A : i32 to vector<16xi32>
    %and3A_13 = arith.andi %iota3A, %and3A_12 : vector<16xi32>
    %add3A_14 = arith.constant 0 : i32
    %add3A_15 = vector.broadcast %add3A_14 : i32 to vector<16xi32>
    %add3A_16 = arith.addi %add3A_15, %and3A_13 : vector<16xi32>
    %min3A = arith.constant 4 : i32
    %min3A_17 = vector.broadcast %min3A : i32 to vector<16xi32>
    %min3A_18 = arith.minsi %add3A_16, %min3A_17 : vector<16xi32>
    %sub3A = arith.constant 5 : i32
    %sub3A_19 = vector.broadcast %sub3A : i32 to vector<16xi32>
    %sub3A_20 = arith.subi %add3A_16, %sub3A_19 : vector<16xi32>
    %max3A = arith.constant 0 : i32
    %max3A_21 = vector.broadcast %max3A : i32 to vector<16xi32>
    %max3A_22 = arith.maxsi %sub3A_20, %max3A_21 : vector<16xi32>
    %lt3A = arith.constant 5 : i32
    %lt3A_23 = vector.broadcast %lt3A : i32 to vector<16xi32>
    %lt3A_24 = arith.cmpi slt, %add3A_16, %lt3A_23 : vector<16xi32>
    %add3A_25 = arith.constant 0 : i32
    %add3A_26 = vector.broadcast %add3A_25 : i32 to vector<16xi32>
    %add3A_27 = arith.addi %add3A_11, %add3A_26 : vector<16xi32>
    %mul3A_28 = arith.constant 5 : i32
    %mul3A_29 = vector.broadcast %mul3A_28 : i32 to vector<16xi32>
    %mul3A_30 = arith.muli %add3A_27, %mul3A_29 : vector<16xi32>
    %add3A_31 = arith.addi %mul3A_30, %min3A_18 : vector<16xi32>
    %gather3A = tpu.vector_load_idx %arg6[%add3A_31] : memref<2560xi32, #tpu.memory_space<vmem>>[vector<16xi32>], vector<16xi32>,
    %mul3A_32 = arith.constant 5 : i32
    %mul3A_33 = vector.broadcast %mul3A_32 : i32 to vector<16xi32>
    %mul3A_34 = arith.muli %add3A_27, %mul3A_33 : vector<16xi32>
    %add3A_35 = arith.addi %mul3A_34, %max3A_22 : vector<16xi32>
    %gather3A_36 = tpu.vector_load_idx %arg7[%add3A_35] : memref<2560xi32, #tpu.memory_space<vmem>>[vector<16xi32>], vector<16xi32>,
    %select_n3A = arith.select %lt3A_24, %gather3A, %gather3A_36 : vector<16xi1>, vector<16xi32>
    %swap3A = arith.constant 0 : i32
    %swap3A_37 = arith.index_cast %swap3A : i32 to index
    %swap3A_38 = arith.constant 0 : index
    %swap3A_39 = tpu.vector_load %arg8[%swap3A_37, %swap3A_38] {strides = array<i32>} : memref<40x128xi32, #tpu.memory_space<vmem>>, vector<16xi32>,
    tpu.vector_store %arg8[%swap3A_37, %swap3A_38], %select_n3A {strides = array<i32>} : memref<40x128xi32, #tpu.memory_space<vmem>>, vector<16xi32>,
    %add3A_40 = arith.constant 8 : i32
    %add3A_41 = vector.broadcast %add3A_40 : i32 to vector<16xi32>
    %add3A_42 = arith.addi %add3A_11, %add3A_41 : vector<16xi32>
    %mul3A_43 = arith.constant 5 : i32
    %mul3A_44 = vector.broadcast %mul3A_43 : i32 to vector<16xi32>
    %mul3A_45 = arith.muli %add3A_42, %mul3A_44 : vector<16xi32>
    %add3A_46 = arith.addi %mul3A_45, %min3A_18 : vector<16xi32>
    %gather3A_47 = tpu.vector_load_idx %arg6[%add3A_46] : memref<2560xi32, #tpu.memory_space<vmem>>[vector<16xi32>], vector<16xi32>,
    %mul3A_48 = arith.constant 5 : i32
    %mul3A_49 = vector.broadcast %mul3A_48 : i32 to vector<16xi32>
    %mul3A_50 = arith.muli %add3A_42, %mul3A_49 : vector<16xi32>
    %add3A_51 = arith.addi %mul3A_50, %max3A_22 : vector<16xi32>
    %gather3A_52 = tpu.vector_load_idx %arg7[%add3A_51] : memref<2560xi32, #tpu.memory_space<vmem>>[vector<16xi32>], vector<16xi32>,
    %select_n3A_53 = arith.select %lt3A_24, %gather3A_47, %gather3A_52 : vector<16xi1>, vector<16xi32>
    %swap3A_54 = arith.constant 0 : i32
    %swap3A_55 = arith.index_cast %swap3A_54 : i32 to index
    %swap3A_56 = arith.constant 16 : index
    %swap3A_57 = tpu.vector_load %arg8[%swap3A_55, %swap3A_56] {strides = array<i32>} : memref<40x128xi32, #tpu.memory_space<vmem>>, vector<16xi32>,
    tpu.vector_store %arg8[%swap3A_55, %swap3A_56], %select_n3A_53 {strides = array<i32>} : memref<40x128xi32, #tpu.memory_space<vmem>>, vector<16xi32>,
    %add3A_58 = arith.constant 16 : i32
    %add3A_59 = vector.broadcast %add3A_58 : i32 to vector<16xi32>
    %add3A_60 = arith.addi %add3A_11, %add3A_59 : vector<16xi32>
    %mul3A_61 = arith.constant 5 : i32
    %mul3A_62 = vector.broadcast %mul3A_61 : i32 to vector<16xi32>
    %mul3A_63 = arith.muli %add3A_60, %mul3A_62 : vector<16xi32>
    %add3A_64 = arith.addi %mul3A_63, %min3A_18 : vector<16xi32>
    %gather3A_65 = tpu.vector_load_idx %arg6[%add3A_64] : memref<2560xi32, #tpu.memory_space<vmem>>[vector<16xi32>], vector<16xi32>,
    %mul3A_66 = arith.constant 5 : i32
    %mul3A_67 = vector.broadcast %mul3A_66 : i32 to vector<16xi32>
    %mul3A_68 = arith.muli %add3A_60, %mul3A_67 : vector<16xi32>
    %add3A_69 = arith.addi %mul3A_68, %max3A_22 : vector<16xi32>
    %gather3A_70 = tpu.vector_load_idx %arg7[%add3A_69] : memref<2560xi32, #tpu.memory_space<vmem>>[vector<16xi32>], vector<16xi32>,
    %select_n3A_71 = arith.select %lt3A_24, %gather3A_65, %gather3A_70 : vector<16xi1>, vector<16xi32>
    %swap3A_72 = arith.constant 0 : i32
    %swap3A_73 = arith.index_cast %swap3A_72 : i32 to index
    %swap3A_74 = arith.constant 32 : index
    %swap3A_75 = tpu.vector_load %arg8[%swap3A_73, %swap3A_74] {strides = array<i32>} : memref<40x128xi32, #tpu.memory_space<vmem>>, vector<16xi32>,
    tpu.vector_store %arg8[%swap3A_73, %swap3A_74], %select_n3A_71 {strides = array<i32>} : memref<40x128xi32, #tpu.memory_space<vmem>>, vector<16xi32>,
    %add3A_76 = arith.constant 24 : i32
    %add3A_77 = vector.broadcast %add3A_76 : i32 to vector<16xi32>
    %add3A_78 = arith.addi %add3A_11, %add3A_77 : vector<16xi32>
    %mul3A_79 = arith.constant 5 : i32
    %mul3A_80 = vector.broadcast %mul3A_79 : i32 to vector<16xi32>
    %mul3A_81 = arith.muli %add3A_78, %mul3A_80 : vector<16xi32>
    %add3A_82 = arith.addi %mul3A_81, %min3A_18 : vector<16xi32>
    %gather3A_83 = tpu.vector_load_idx %arg6[%add3A_82] : memref<2560xi32, #tpu.memory_space<vmem>>[vector<16xi32>], vector<16xi32>,
    %mul3A_84 = arith.constant 5 : i32
    %mul3A_85 = vector.broadcast %mul3A_84 : i32 to vector<16xi32>
    %mul3A_86 = arith.muli %add3A_78, %mul3A_85 : vector<16xi32>
    %add3A_87 = arith.addi %mul3A_86, %max3A_22 : vector<16xi32>
    %gather3A_88 = tpu.vector_load_idx %arg7[%add3A_87] : memref<2560xi32, #tpu.memory_space<vmem>>[vector<16xi32>], vector<16xi32>,
    %select_n3A_89 = arith.select %lt3A_24, %gather3A_83, %gather3A_88 : vector<16xi1>, vector<16xi32>
    %swap3A_90 = arith.constant 0 : i32
    %swap3A_91 = arith.index_cast %swap3A_90 : i32 to index
    %swap3A_92 = arith.constant 48 : index
    %swap3A_93 = tpu.vector_load %arg8[%swap3A_91, %swap3A_92] {strides = array<i32>} : memref<40x128xi32, #tpu.memory_space<vmem>>, vector<16xi32>,
    tpu.vector_store %arg8[%swap3A_91, %swap3A_92], %select_n3A_89 {strides = array<i32>} : memref<40x128xi32, #tpu.memory_space<vmem>>, vector<16xi32>,
    %add3A_94 = arith.constant 32 : i32
    %add3A_95 = vector.broadcast %add3A_94 : i32 to vector<16xi32>
    %add3A_96 = arith.addi %add3A_11, %add3A_95 : vector<16xi32>
    %mul3A_97 = arith.constant 5 : i32
    %mul3A_98 = vector.broadcast %mul3A_97 : i32 to vector<16xi32>
    %mul3A_99 = arith.muli %add3A_96, %mul3A_98 : vector<16xi32>
    %add3A_100 = arith.addi %mul3A_99, %min3A_18 : vector<16xi32>
    %gather3A_101 = tpu.vector_load_idx %arg6[%add3A_100] : memref<2560xi32, #tpu.memory_space<vmem>>[vector<16xi32>], vector<16xi32>,
    %mul3A_102 = arith.constant 5 : i32
    %mul3A_103 = vector.broadcast %mul3A_102 : i32 to vector<16xi32>
    %mul3A_104 = arith.muli %add3A_96, %mul3A_103 : vector<16xi32>
    %add3A_105 = arith.addi %mul3A_104, %max3A_22 : vector<16xi32>
    %gather3A_106 = tpu.vector_load_idx %arg7[%add3A_105] : memref<2560xi32, #tpu.memory_space<vmem>>[vector<16xi32>], vector<16xi32>,
    %select_n3A_107 = arith.select %lt3A_24, %gather3A_101, %gather3A_106 : vector<16xi1>, vector<16xi32>
    %swap3A_108 = arith.constant 0 : i32
    %swap3A_109 = arith.index_cast %swap3A_108 : i32 to index
    %swap3A_110 = arith.constant 64 : index
    %swap3A_111 = tpu.vector_load %arg8[%swap3A_109, %swap3A_110] {strides = array<i32>} : memref<40x128xi32, #tpu.memory_space<vmem>>, vector<16xi32>,
    tpu.vector_store %arg8[%swap3A_109, %swap3A_110], %select_n3A_107 {strides = array<i32>} : memref<40x128xi32, #tpu.memory_space<vmem>>, vector<16xi32>,
    %add3A_112 = arith.constant 40 : i32
    %add3A_113 = vector.broadcast %add3A_112 : i32 to vector<16xi32>
    %add3A_114 = arith.addi %add3A_11, %add3A_113 : vector<16xi32>
    %mul3A_115 = arith.constant 5 : i32
    %mul3A_116 = vector.broadcast %mul3A_115 : i32 to vector<16xi32>
    %mul3A_117 = arith.muli %add3A_114, %mul3A_116 : vector<16xi32>
    %add3A_118 = arith.addi %mul3A_117, %min3A_18 : vector<16xi32>
    %gather3A_119 = tpu.vector_load_idx %arg6[%add3A_118] : memref<2560xi32, #tpu.memory_space<vmem>>[vector<16xi32>], vector<16xi32>,
    %mul3A_120 = arith.constant 5 : i32
    %mul3A_121 = vector.broadcast %mul3A_120 : i32 to vector<16xi32>
    %mul3A_122 = arith.muli %add3A_114, %mul3A_121 : vector<16xi32>
    %add3A_123 = arith.addi %mul3A_122, %max3A_22 : vector<16xi32>
    %gather3A_124 = tpu.vector_load_idx %arg7[%add3A_123] : memref<2560xi32, #tpu.memory_space<vmem>>[vector<16xi32>], vector<16xi32>,
    %select_n3A_125 = arith.select %lt3A_24, %gather3A_119, %gather3A_124 : vector<16xi1>, vector<16xi32>
    %swap3A_126 = arith.constant 0 : i32
    %swap3A_127 = arith.index_cast %swap3A_126 : i32 to index
    %swap3A_128 = arith.constant 80 : index
    %swap3A_129 = tpu.vector_load %arg8[%swap3A_127, %swap3A_128] {strides = array<i32>} : memref<40x128xi32, #tpu.memory_space<vmem>>, vector<16xi32>,
    tpu.vector_store %arg8[%swap3A_127, %swap3A_128], %select_n3A_125 {strides = array<i32>} : memref<40x128xi32, #tpu.memory_space<vmem>>, vector<16xi32>,
    %add3A_130 = arith.constant 48 : i32
    %add3A_131 = vector.broadcast %add3A_130 : i32 to vector<16xi32>
    %add3A_132 = arith.addi %add3A_11, %add3A_131 : vector<16xi32>
    %mul3A_133 = arith.constant 5 : i32
    %mul3A_134 = vector.broadcast %mul3A_133 : i32 to vector<16xi32>
    %mul3A_135 = arith.muli %add3A_132, %mul3A_134 : vector<16xi32>
    %add3A_136 = arith.addi %mul3A_135, %min3A_18 : vector<16xi32>
    %gather3A_137 = tpu.vector_load_idx %arg6[%add3A_136] : memref<2560xi32, #tpu.memory_space<vmem>>[vector<16xi32>], vector<16xi32>,
    %mul3A_138 = arith.constant 5 : i32
    %mul3A_139 = vector.broadcast %mul3A_138 : i32 to vector<16xi32>
    %mul3A_140 = arith.muli %add3A_132, %mul3A_139 : vector<16xi32>
    %add3A_141 = arith.addi %mul3A_140, %max3A_22 : vector<16xi32>
    %gather3A_142 = tpu.vector_load_idx %arg7[%add3A_141] : memref<2560xi32, #tpu.memory_space<vmem>>[vector<16xi32>], vector<16xi32>,
    %select_n3A_143 = arith.select %lt3A_24, %gather3A_137, %gather3A_142 : vector<16xi1>, vector<16xi32>
    %swap3A_144 = arith.constant 0 : i32
    %swap3A_145 = arith.index_cast %swap3A_144 : i32 to index
    %swap3A_146 = arith.constant 96 : index
    %swap3A_147 = tpu.vector_load %arg8[%swap3A_145, %swap3A_146] {strides = array<i32>} : memref<40x128xi32, #tpu.memory_space<vmem>>, vector<16xi32>,
    tpu.vector_store %arg8[%swap3A_145, %swap3A_146], %select_n3A_143 {strides = array<i32>} : memref<40x128xi32, #tpu.memory_space<vmem>>, vector<16xi32>,
    %add3A_148 = arith.constant 56 : i32
    %add3A_149 = vector.broadcast %add3A_148 : i32 to vector<16xi32>
    %add3A_150 = arith.addi %add3A_11, %add3A_149 : vector<16xi32>
    %mul3A_151 = arith.constant 5 : i32
    %mul3A_152 = vector.broadcast %mul3A_151 : i32 to vector<16xi32>
    %mul3A_153 = arith.muli %add3A_150, %mul3A_152 : vector<16xi32>
    %add3A_154 = arith.addi %mul3A_153, %min3A_18 : vector<16xi32>
    %gather3A_155 = tpu.vector_load_idx %arg6[%add3A_154] : memref<2560xi32, #tpu.memory_space<vmem>>[vector<16xi32>], vector<16xi32>,
    %mul3A_156 = arith.constant 5 : i32
    %mul3A_157 = vector.broadcast %mul3A_156 : i32 to vector<16xi32>
    %mul3A_158 = arith.muli %add3A_150, %mul3A_157 : vector<16xi32>
    %add3A_159 = arith.addi %mul3A_158, %max3A_22 : vector<16xi32>
    %gather3A_160 = tpu.vector_load_idx %arg7[%add3A_159] : memref<2560xi32, #tpu.memory_space<vmem>>[vector<16xi32>], vector<16xi32>,
    %select_n3A_161 = arith.select %lt3A_24, %gather3A_155, %gather3A_160 : vector<16xi1>, vector<16xi32>
    %swap3A_162 = arith.constant 0 : i32
    %swap3A_163 = arith.index_cast %swap3A_162 : i32 to index
    %swap3A_164 = arith.constant 112 : index
    %swap3A_165 = tpu.vector_load %arg8[%swap3A_163, %swap3A_164] {strides = array<i32>} : memref<40x128xi32, #tpu.memory_space<vmem>>, vector<16xi32>,
    tpu.vector_store %arg8[%swap3A_163, %swap3A_164], %select_n3A_161 {strides = array<i32>} : memref<40x128xi32, #tpu.memory_space<vmem>>, vector<16xi32>,
    %dma_start3A = arith.constant 0 : i32
    %dma_start3A_166 = arith.constant 0 : i32
    %dma_start3A_167 = tpu.memref_slice %arg8[%dma_start3A, %dma_start3A_166] : memref<40x128xi32, #tpu.memory_space<vmem>> -> memref<1x128xi32, #tpu.memory_space<vmem>>
    %dma_start3A_168 = tpu.memref_squeeze %dma_start3A_167 : memref<1x128xi32, #tpu.memory_space<vmem>> -> memref<128xi32, #tpu.memory_space<vmem>>
    %dma_start3A_169 = arith.constant 0 : i32
    %dma_start3A_170 = arith.constant 0 : i32
    %dma_start3A_171 = tpu.memref_slice %arg2[%dma_start3A_169, %dma_start3A_170] : memref<100000x64xf32, #tpu.memory_space<hbm>> -> memref<100000x64xf32, #tpu.memory_space<hbm>>
    tpu.enqueue_indirect_dma source(%dma_start3A_171 : memref<100000x64xf32, #tpu.memory_space<hbm>>) target(%arg9 : memref<128x64xf32, #tpu.memory_space<vmem>>) offsets(%dma_start3A_168 : memref<128xi32, #tpu.memory_space<vmem>>) semaphore(%arg11 : memref<!tpu.dma_semaphore, #tpu.memory_space<semaphore_mem>>)
    %scan3A = arith.constant 0 : i32
    %scan3A_172 = arith.constant 0 : i32
    %scan3A_173 = arith.constant 40 : i32
    %scan3A_174 = arith.addi %scan3A_172, %scan3A_173 : i32
    %scan3A_175 = arith.constant 1 : i32
    %scan3A_176 = scf.for %scan3A_178 = %scan3A_172 to %scan3A_174 step %scan3A_175 iter_args(%scan3A_179 = %scan3A) -> (i32)  : i32 {
      %rem3A = arith.constant 2 : i32
      %rem3A_180 = arith.remsi %scan3A_178, %rem3A : i32
      %add3A_181 = arith.constant 1 : i32
      %add3A_182 = arith.addi %scan3A_178, %add3A_181 : i32
      %rem3A_183 = arith.constant 2 : i32
      %rem3A_184 = arith.remsi %add3A_182, %rem3A_183 : i32
      %add3A_185 = arith.constant 1 : i32
      %add3A_186 = arith.addi %scan3A_178, %add3A_185 : i32
      %lt3A_187 = arith.constant 40 : i32
      %lt3A_188 = arith.cmpi slt, %add3A_186, %lt3A_187 : i32
      %convert_element_type3A = arith.extui %lt3A_188 : i1 to i32
      %cond3A = arith.constant 0 : i32
      %cond3A_189 = arith.cmpi ne, %convert_element_type3A, %cond3A : i32
      scf.if %cond3A_189 {
        %add3A_200 = arith.constant 1 : i32
        %add3A_201 = arith.addi %scan3A_178, %add3A_200 : i32
        %jit3A = arith.constant 8 : i32
        %div3A = arith.divsi %add3A_201, %jit3A : i32
        %sign3A = arith.constant 0 : i32
        %sign3A_202 = arith.cmpi sgt, %add3A_201, %sign3A : i32
        %sign3A_203 = arith.extui %sign3A_202 : i1 to i32
        %sign3A_204 = arith.constant 0 : i32
        %sign3A_205 = arith.cmpi slt, %add3A_201, %sign3A_204 : i32
        %sign3A_206 = arith.extui %sign3A_205 : i1 to i32
        %sign3A_207 = arith.subi %sign3A_203, %sign3A_206 : i32
        %sign3A_208 = arith.constant 0 : i32
        %sign3A_209 = arith.cmpi sgt, %jit3A, %sign3A_208 : i32
        %sign3A_210 = arith.extui %sign3A_209 : i1 to i32
        %sign3A_211 = arith.constant 0 : i32
        %sign3A_212 = arith.cmpi slt, %jit3A, %sign3A_211 : i32
        %sign3A_213 = arith.extui %sign3A_212 : i1 to i32
        %sign3A_214 = arith.subi %sign3A_210, %sign3A_213 : i32
        %ne3A = arith.cmpi ne, %sign3A_207, %sign3A_214 : i32
        %rem3A_215 = arith.remsi %add3A_201, %jit3A : i32
        %ne3A_216 = arith.constant 0 : i32
        %ne3A_217 = arith.cmpi ne, %rem3A_215, %ne3A_216 : i32
        %and3A_218 = arith.andi %ne3A, %ne3A_217 : i1
        %sub3A_219 = arith.constant 1 : i32
        %sub3A_220 = arith.subi %div3A, %sub3A_219 : i32
        %select_n3A_221 = arith.select %and3A_218, %sub3A_220, %div3A : i32
        %mul3A_222 = arith.constant 8 : i32
        %mul3A_223 = arith.muli %select_n3A_221, %mul3A_222 : i32
        %sub3A_224 = arith.subi %add3A_201, %mul3A_223 : i32
        %shift_right_arithmetic3A_225 = arith.constant 1 : i32
        %shift_right_arithmetic3A_226 = vector.broadcast %shift_right_arithmetic3A_225 : i32 to vector<16xi32>
        %shift_right_arithmetic3A_227 = arith.shrsi %iota3A, %shift_right_arithmetic3A_226 : vector<16xi32>
        %mul3A_228 = arith.constant 64 : i32
        %mul3A_229 = arith.muli %sub3A_224, %mul3A_228 : i32
        %add3A_230 = vector.broadcast %mul3A_229 : i32 to vector<16xi32>
        %add3A_231 = arith.addi %shift_right_arithmetic3A_227, %add3A_230 : vector<16xi32>
        %and3A_232 = arith.constant 1 : i32
        %and3A_233 = vector.broadcast %and3A_232 : i32 to vector<16xi32>
        %and3A_234 = arith.andi %iota3A, %and3A_233 : vector<16xi32>
        %mul3A_235 = arith.constant 2 : i32
        %mul3A_236 = arith.muli %mul3A_235, %select_n3A_221 : i32
        %add3A_237 = vector.broadcast %mul3A_236 : i32 to vector<16xi32>
        %add3A_238 = arith.addi %add3A_237, %and3A_234 : vector<16xi32>
        %min3A_239 = arith.constant 4 : i32
        %min3A_240 = vector.broadcast %min3A_239 : i32 to vector<16xi32>
        %min3A_241 = arith.minsi %add3A_238, %min3A_240 : vector<16xi32>
        %sub3A_242 = arith.constant 5 : i32
        %sub3A_243 = vector.broadcast %sub3A_242 : i32 to vector<16xi32>
        %sub3A_244 = arith.subi %add3A_238, %sub3A_243 : vector<16xi32>
        %max3A_245 = arith.constant 0 : i32
        %max3A_246 = vector.broadcast %max3A_245 : i32 to vector<16xi32>
        %max3A_247 = arith.maxsi %sub3A_244, %max3A_246 : vector<16xi32>
        %lt3A_248 = arith.constant 5 : i32
        %lt3A_249 = vector.broadcast %lt3A_248 : i32 to vector<16xi32>
        %lt3A_250 = arith.cmpi slt, %add3A_238, %lt3A_249 : vector<16xi32>
        %add3A_251 = arith.constant 0 : i32
        %add3A_252 = vector.broadcast %add3A_251 : i32 to vector<16xi32>
        %add3A_253 = arith.addi %add3A_231, %add3A_252 : vector<16xi32>
        %mul3A_254 = arith.constant 5 : i32
        %mul3A_255 = vector.broadcast %mul3A_254 : i32 to vector<16xi32>
        %mul3A_256 = arith.muli %add3A_253, %mul3A_255 : vector<16xi32>
        %add3A_257 = arith.addi %mul3A_256, %min3A_241 : vector<16xi32>
        %gather3A_258 = tpu.vector_load_idx %arg6[%add3A_257] : memref<2560xi32, #tpu.memory_space<vmem>>[vector<16xi32>], vector<16xi32>,
        %mul3A_259 = arith.constant 5 : i32
        %mul3A_260 = vector.broadcast %mul3A_259 : i32 to vector<16xi32>
        %mul3A_261 = arith.muli %add3A_253, %mul3A_260 : vector<16xi32>
        %add3A_262 = arith.addi %mul3A_261, %max3A_247 : vector<16xi32>
        %gather3A_263 = tpu.vector_load_idx %arg7[%add3A_262] : memref<2560xi32, #tpu.memory_space<vmem>>[vector<16xi32>], vector<16xi32>,
        %select_n3A_264 = arith.select %lt3A_250, %gather3A_258, %gather3A_263 : vector<16xi1>, vector<16xi32>
        %swap3A_265 = arith.index_cast %add3A_201 : i32 to index
        %swap3A_266 = arith.constant 0 : index
        %swap3A_267 = tpu.vector_load %arg8[%swap3A_265, %swap3A_266] {strides = array<i32>} : memref<40x128xi32, #tpu.memory_space<vmem>>, vector<16xi32>,
        tpu.vector_store %arg8[%swap3A_265, %swap3A_266], %select_n3A_264 {strides = array<i32>} : memref<40x128xi32, #tpu.memory_space<vmem>>, vector<16xi32>,
        %add3A_268 = arith.constant 8 : i32
        %add3A_269 = vector.broadcast %add3A_268 : i32 to vector<16xi32>
        %add3A_270 = arith.addi %add3A_231, %add3A_269 : vector<16xi32>
        %mul3A_271 = arith.constant 5 : i32
        %mul3A_272 = vector.broadcast %mul3A_271 : i32 to vector<16xi32>
        %mul3A_273 = arith.muli %add3A_270, %mul3A_272 : vector<16xi32>
        %add3A_274 = arith.addi %mul3A_273, %min3A_241 : vector<16xi32>
        %gather3A_275 = tpu.vector_load_idx %arg6[%add3A_274] : memref<2560xi32, #tpu.memory_space<vmem>>[vector<16xi32>], vector<16xi32>,
        %mul3A_276 = arith.constant 5 : i32
        %mul3A_277 = vector.broadcast %mul3A_276 : i32 to vector<16xi32>
        %mul3A_278 = arith.muli %add3A_270, %mul3A_277 : vector<16xi32>
        %add3A_279 = arith.addi %mul3A_278, %max3A_247 : vector<16xi32>
        %gather3A_280 = tpu.vector_load_idx %arg7[%add3A_279] : memref<2560xi32, #tpu.memory_space<vmem>>[vector<16xi32>], vector<16xi32>,
        %select_n3A_281 = arith.select %lt3A_250, %gather3A_275, %gather3A_280 : vector<16xi1>, vector<16xi32>
        %swap3A_282 = arith.index_cast %add3A_201 : i32 to index
        %swap3A_283 = arith.constant 16 : index
        %swap3A_284 = tpu.vector_load %arg8[%swap3A_282, %swap3A_283] {strides = array<i32>} : memref<40x128xi32, #tpu.memory_space<vmem>>, vector<16xi32>,
        tpu.vector_store %arg8[%swap3A_282, %swap3A_283], %select_n3A_281 {strides = array<i32>} : memref<40x128xi32, #tpu.memory_space<vmem>>, vector<16xi32>,
        %add3A_285 = arith.constant 16 : i32
        %add3A_286 = vector.broadcast %add3A_285 : i32 to vector<16xi32>
        %add3A_287 = arith.addi %add3A_231, %add3A_286 : vector<16xi32>
        %mul3A_288 = arith.constant 5 : i32
        %mul3A_289 = vector.broadcast %mul3A_288 : i32 to vector<16xi32>
        %mul3A_290 = arith.muli %add3A_287, %mul3A_289 : vector<16xi32>
        %add3A_291 = arith.addi %mul3A_290, %min3A_241 : vector<16xi32>
        %gather3A_292 = tpu.vector_load_idx %arg6[%add3A_291] : memref<2560xi32, #tpu.memory_space<vmem>>[vector<16xi32>], vector<16xi32>,
        %mul3A_293 = arith.constant 5 : i32
        %mul3A_294 = vector.broadcast %mul3A_293 : i32 to vector<16xi32>
        %mul3A_295 = arith.muli %add3A_287, %mul3A_294 : vector<16xi32>
        %add3A_296 = arith.addi %mul3A_295, %max3A_247 : vector<16xi32>
        %gather3A_297 = tpu.vector_load_idx %arg7[%add3A_296] : memref<2560xi32, #tpu.memory_space<vmem>>[vector<16xi32>], vector<16xi32>,
        %select_n3A_298 = arith.select %lt3A_250, %gather3A_292, %gather3A_297 : vector<16xi1>, vector<16xi32>
        %swap3A_299 = arith.index_cast %add3A_201 : i32 to index
        %swap3A_300 = arith.constant 32 : index
        %swap3A_301 = tpu.vector_load %arg8[%swap3A_299, %swap3A_300] {strides = array<i32>} : memref<40x128xi32, #tpu.memory_space<vmem>>, vector<16xi32>,
        tpu.vector_store %arg8[%swap3A_299, %swap3A_300], %select_n3A_298 {strides = array<i32>} : memref<40x128xi32, #tpu.memory_space<vmem>>, vector<16xi32>,
        %add3A_302 = arith.constant 24 : i32
        %add3A_303 = vector.broadcast %add3A_302 : i32 to vector<16xi32>
        %add3A_304 = arith.addi %add3A_231, %add3A_303 : vector<16xi32>
        %mul3A_305 = arith.constant 5 : i32
        %mul3A_306 = vector.broadcast %mul3A_305 : i32 to vector<16xi32>
        %mul3A_307 = arith.muli %add3A_304, %mul3A_306 : vector<16xi32>
        %add3A_308 = arith.addi %mul3A_307, %min3A_241 : vector<16xi32>
        %gather3A_309 = tpu.vector_load_idx %arg6[%add3A_308] : memref<2560xi32, #tpu.memory_space<vmem>>[vector<16xi32>], vector<16xi32>,
        %mul3A_310 = arith.constant 5 : i32
        %mul3A_311 = vector.broadcast %mul3A_310 : i32 to vector<16xi32>
        %mul3A_312 = arith.muli %add3A_304, %mul3A_311 : vector<16xi32>
        %add3A_313 = arith.addi %mul3A_312, %max3A_247 : vector<16xi32>
        %gather3A_314 = tpu.vector_load_idx %arg7[%add3A_313] : memref<2560xi32, #tpu.memory_space<vmem>>[vector<16xi32>], vector<16xi32>,
        %select_n3A_315 = arith.select %lt3A_250, %gather3A_309, %gather3A_314 : vector<16xi1>, vector<16xi32>
        %swap3A_316 = arith.index_cast %add3A_201 : i32 to index
        %swap3A_317 = arith.constant 48 : index
        %swap3A_318 = tpu.vector_load %arg8[%swap3A_316, %swap3A_317] {strides = array<i32>} : memref<40x128xi32, #tpu.memory_space<vmem>>, vector<16xi32>,
        tpu.vector_store %arg8[%swap3A_316, %swap3A_317], %select_n3A_315 {strides = array<i32>} : memref<40x128xi32, #tpu.memory_space<vmem>>, vector<16xi32>,
        %add3A_319 = arith.constant 32 : i32
        %add3A_320 = vector.broadcast %add3A_319 : i32 to vector<16xi32>
        %add3A_321 = arith.addi %add3A_231, %add3A_320 : vector<16xi32>
        %mul3A_322 = arith.constant 5 : i32
        %mul3A_323 = vector.broadcast %mul3A_322 : i32 to vector<16xi32>
        %mul3A_324 = arith.muli %add3A_321, %mul3A_323 : vector<16xi32>
        %add3A_325 = arith.addi %mul3A_324, %min3A_241 : vector<16xi32>
        %gather3A_326 = tpu.vector_load_idx %arg6[%add3A_325] : memref<2560xi32, #tpu.memory_space<vmem>>[vector<16xi32>], vector<16xi32>,
        %mul3A_327 = arith.constant 5 : i32
        %mul3A_328 = vector.broadcast %mul3A_327 : i32 to vector<16xi32>
        %mul3A_329 = arith.muli %add3A_321, %mul3A_328 : vector<16xi32>
        %add3A_330 = arith.addi %mul3A_329, %max3A_247 : vector<16xi32>
        %gather3A_331 = tpu.vector_load_idx %arg7[%add3A_330] : memref<2560xi32, #tpu.memory_space<vmem>>[vector<16xi32>], vector<16xi32>,
        %select_n3A_332 = arith.select %lt3A_250, %gather3A_326, %gather3A_331 : vector<16xi1>, vector<16xi32>
        %swap3A_333 = arith.index_cast %add3A_201 : i32 to index
        %swap3A_334 = arith.constant 64 : index
        %swap3A_335 = tpu.vector_load %arg8[%swap3A_333, %swap3A_334] {strides = array<i32>} : memref<40x128xi32, #tpu.memory_space<vmem>>, vector<16xi32>,
        tpu.vector_store %arg8[%swap3A_333, %swap3A_334], %select_n3A_332 {strides = array<i32>} : memref<40x128xi32, #tpu.memory_space<vmem>>, vector<16xi32>,
        %add3A_336 = arith.constant 40 : i32
        %add3A_337 = vector.broadcast %add3A_336 : i32 to vector<16xi32>
        %add3A_338 = arith.addi %add3A_231, %add3A_337 : vector<16xi32>
        %mul3A_339 = arith.constant 5 : i32
        %mul3A_340 = vector.broadcast %mul3A_339 : i32 to vector<16xi32>
        %mul3A_341 = arith.muli %add3A_338, %mul3A_340 : vector<16xi32>
        %add3A_342 = arith.addi %mul3A_341, %min3A_241 : vector<16xi32>
        %gather3A_343 = tpu.vector_load_idx %arg6[%add3A_342] : memref<2560xi32, #tpu.memory_space<vmem>>[vector<16xi32>], vector<16xi32>,
        %mul3A_344 = arith.constant 5 : i32
        %mul3A_345 = vector.broadcast %mul3A_344 : i32 to vector<16xi32>
        %mul3A_346 = arith.muli %add3A_338, %mul3A_345 : vector<16xi32>
        %add3A_347 = arith.addi %mul3A_346, %max3A_247 : vector<16xi32>
        %gather3A_348 = tpu.vector_load_idx %arg7[%add3A_347] : memref<2560xi32, #tpu.memory_space<vmem>>[vector<16xi32>], vector<16xi32>,
        %select_n3A_349 = arith.select %lt3A_250, %gather3A_343, %gather3A_348 : vector<16xi1>, vector<16xi32>
        %swap3A_350 = arith.index_cast %add3A_201 : i32 to index
        %swap3A_351 = arith.constant 80 : index
        %swap3A_352 = tpu.vector_load %arg8[%swap3A_350, %swap3A_351] {strides = array<i32>} : memref<40x128xi32, #tpu.memory_space<vmem>>, vector<16xi32>,
        tpu.vector_store %arg8[%swap3A_350, %swap3A_351], %select_n3A_349 {strides = array<i32>} : memref<40x128xi32, #tpu.memory_space<vmem>>, vector<16xi32>,
        %add3A_353 = arith.constant 48 : i32
        %add3A_354 = vector.broadcast %add3A_353 : i32 to vector<16xi32>
        %add3A_355 = arith.addi %add3A_231, %add3A_354 : vector<16xi32>
        %mul3A_356 = arith.constant 5 : i32
        %mul3A_357 = vector.broadcast %mul3A_356 : i32 to vector<16xi32>
        %mul3A_358 = arith.muli %add3A_355, %mul3A_357 : vector<16xi32>
        %add3A_359 = arith.addi %mul3A_358, %min3A_241 : vector<16xi32>
        %gather3A_360 = tpu.vector_load_idx %arg6[%add3A_359] : memref<2560xi32, #tpu.memory_space<vmem>>[vector<16xi32>], vector<16xi32>,
        %mul3A_361 = arith.constant 5 : i32
        %mul3A_362 = vector.broadcast %mul3A_361 : i32 to vector<16xi32>
        %mul3A_363 = arith.muli %add3A_355, %mul3A_362 : vector<16xi32>
        %add3A_364 = arith.addi %mul3A_363, %max3A_247 : vector<16xi32>
        %gather3A_365 = tpu.vector_load_idx %arg7[%add3A_364] : memref<2560xi32, #tpu.memory_space<vmem>>[vector<16xi32>], vector<16xi32>,
        %select_n3A_366 = arith.select %lt3A_250, %gather3A_360, %gather3A_365 : vector<16xi1>, vector<16xi32>
        %swap3A_367 = arith.index_cast %add3A_201 : i32 to index
        %swap3A_368 = arith.constant 96 : index
        %swap3A_369 = tpu.vector_load %arg8[%swap3A_367, %swap3A_368] {strides = array<i32>} : memref<40x128xi32, #tpu.memory_space<vmem>>, vector<16xi32>,
        tpu.vector_store %arg8[%swap3A_367, %swap3A_368], %select_n3A_366 {strides = array<i32>} : memref<40x128xi32, #tpu.memory_space<vmem>>, vector<16xi32>,
        %add3A_370 = arith.constant 56 : i32
        %add3A_371 = vector.broadcast %add3A_370 : i32 to vector<16xi32>
        %add3A_372 = arith.addi %add3A_231, %add3A_371 : vector<16xi32>
        %mul3A_373 = arith.constant 5 : i32
        %mul3A_374 = vector.broadcast %mul3A_373 : i32 to vector<16xi32>
        %mul3A_375 = arith.muli %add3A_372, %mul3A_374 : vector<16xi32>
        %add3A_376 = arith.addi %mul3A_375, %min3A_241 : vector<16xi32>
        %gather3A_377 = tpu.vector_load_idx %arg6[%add3A_376] : memref<2560xi32, #tpu.memory_space<vmem>>[vector<16xi32>], vector<16xi32>,
        %mul3A_378 = arith.constant 5 : i32
        %mul3A_379 = vector.broadcast %mul3A_378 : i32 to vector<16xi32>
        %mul3A_380 = arith.muli %add3A_372, %mul3A_379 : vector<16xi32>
        %add3A_381 = arith.addi %mul3A_380, %max3A_247 : vector<16xi32>
        %gather3A_382 = tpu.vector_load_idx %arg7[%add3A_381] : memref<2560xi32, #tpu.memory_space<vmem>>[vector<16xi32>], vector<16xi32>,
        %select_n3A_383 = arith.select %lt3A_250, %gather3A_377, %gather3A_382 : vector<16xi1>, vector<16xi32>
        %swap3A_384 = arith.index_cast %add3A_201 : i32 to index
        %swap3A_385 = arith.constant 112 : index
        %swap3A_386 = tpu.vector_load %arg8[%swap3A_384, %swap3A_385] {strides = array<i32>} : memref<40x128xi32, #tpu.memory_space<vmem>>, vector<16xi32>,
        tpu.vector_store %arg8[%swap3A_384, %swap3A_385], %select_n3A_383 {strides = array<i32>} : memref<40x128xi32, #tpu.memory_space<vmem>>, vector<16xi32>,
        %eq3A_387 = arith.constant 0 : i32
        %eq3A_388 = arith.cmpi eq, %rem3A_184, %eq3A_387 : i32
        %convert_element_type3A_389 = arith.extui %eq3A_388 : i1 to i32
        %cond3A_390 = arith.constant 0 : i32
        %cond3A_391 = arith.cmpi ne, %convert_element_type3A_389, %cond3A_390 : i32
        scf.if %cond3A_391 {
          %add3A_397 = arith.constant 1 : i32
          %add3A_398 = arith.addi %scan3A_178, %add3A_397 : i32
          %dma_start3A_399 = arith.constant 0 : i32
          %dma_start3A_400 = tpu.memref_slice %arg8[%add3A_398, %dma_start3A_399] : memref<40x128xi32, #tpu.memory_space<vmem>> -> memref<1x128xi32, #tpu.memory_space<vmem>>
          %dma_start3A_401 = tpu.memref_squeeze %dma_start3A_400 : memref<1x128xi32, #tpu.memory_space<vmem>> -> memref<128xi32, #tpu.memory_space<vmem>>
          %dma_start3A_402 = arith.constant 0 : i32
          %dma_start3A_403 = arith.constant 0 : i32
          %dma_start3A_404 = tpu.memref_slice %arg2[%dma_start3A_402, %dma_start3A_403] : memref<100000x64xf32, #tpu.memory_space<hbm>> -> memref<100000x64xf32, #tpu.memory_space<hbm>>
          tpu.enqueue_indirect_dma source(%dma_start3A_404 : memref<100000x64xf32, #tpu.memory_space<hbm>>) target(%arg9 : memref<128x64xf32, #tpu.memory_space<vmem>>) offsets(%dma_start3A_401 : memref<128xi32, #tpu.memory_space<vmem>>) semaphore(%arg11 : memref<!tpu.dma_semaphore, #tpu.memory_space<semaphore_mem>>)
        } else {
        }
        %eq3A_392 = arith.constant 1 : i32
        %eq3A_393 = arith.cmpi eq, %rem3A_184, %eq3A_392 : i32
        %convert_element_type3A_394 = arith.extui %eq3A_393 : i1 to i32
        %cond3A_395 = arith.constant 0 : i32
        %cond3A_396 = arith.cmpi ne, %convert_element_type3A_394, %cond3A_395 : i32
        scf.if %cond3A_396 {
          %add3A_397 = arith.constant 1 : i32
          %add3A_398 = arith.addi %scan3A_178, %add3A_397 : i32
          %dma_start3A_399 = arith.constant 0 : i32
          %dma_start3A_400 = tpu.memref_slice %arg8[%add3A_398, %dma_start3A_399] : memref<40x128xi32, #tpu.memory_space<vmem>> -> memref<1x128xi32, #tpu.memory_space<vmem>>
          %dma_start3A_401 = tpu.memref_squeeze %dma_start3A_400 : memref<1x128xi32, #tpu.memory_space<vmem>> -> memref<128xi32, #tpu.memory_space<vmem>>
          %dma_start3A_402 = arith.constant 0 : i32
          %dma_start3A_403 = arith.constant 0 : i32
          %dma_start3A_404 = tpu.memref_slice %arg2[%dma_start3A_402, %dma_start3A_403] : memref<100000x64xf32, #tpu.memory_space<hbm>> -> memref<100000x64xf32, #tpu.memory_space<hbm>>
          tpu.enqueue_indirect_dma source(%dma_start3A_404 : memref<100000x64xf32, #tpu.memory_space<hbm>>) target(%arg10 : memref<128x64xf32, #tpu.memory_space<vmem>>) offsets(%dma_start3A_401 : memref<128xi32, #tpu.memory_space<vmem>>) semaphore(%arg12 : memref<!tpu.dma_semaphore, #tpu.memory_space<semaphore_mem>>)
        } else {
        }
      } else {
      }
      %eq3A = arith.constant 0 : i32
      %eq3A_190 = arith.cmpi eq, %rem3A_180, %eq3A : i32
      %convert_element_type3A_191 = arith.extui %eq3A_190 : i1 to i32
      %cond3A_192 = arith.constant 0 : i32
      %cond3A_193 = arith.cmpi ne, %convert_element_type3A_191, %cond3A_192 : i32
      scf.if %cond3A_193 {
        %dma_wait3A = arith.constant 0 : i32
        %dma_wait3A_200 = tpu.memref_slice %arg8[%scan3A_178, %dma_wait3A] : memref<40x128xi32, #tpu.memory_space<vmem>> -> memref<1x128xi32, #tpu.memory_space<vmem>>
        %dma_wait3A_201 = tpu.memref_squeeze %dma_wait3A_200 : memref<1x128xi32, #tpu.memory_space<vmem>> -> memref<128xi32, #tpu.memory_space<vmem>>
        %dma_wait3A_202 = arith.constant 0 : i32
        %dma_wait3A_203 = arith.constant 0 : i32
        %dma_wait3A_204 = tpu.memref_slice %arg2[%dma_wait3A_202, %dma_wait3A_203] : memref<100000x64xf32, #tpu.memory_space<hbm>> -> memref<100000x64xf32, #tpu.memory_space<hbm>>
        tpu.wait_indirect_dma semaphore(%arg11 : memref<!tpu.dma_semaphore, #tpu.memory_space<semaphore_mem>>) src(%dma_wait3A_204 : memref<100000x64xf32, #tpu.memory_space<hbm>>) dst(%arg9 : memref<128x64xf32, #tpu.memory_space<vmem>>)
        %jit3A = arith.constant 8 : i32
        %div3A = arith.divsi %scan3A_178, %jit3A : i32
        %sign3A = arith.constant 0 : i32
        %sign3A_205 = arith.cmpi sgt, %scan3A_178, %sign3A : i32
        %sign3A_206 = arith.extui %sign3A_205 : i1 to i32
        %sign3A_207 = arith.constant 0 : i32
        %sign3A_208 = arith.cmpi slt, %scan3A_178, %sign3A_207 : i32
        %sign3A_209 = arith.extui %sign3A_208 : i1 to i32
        %sign3A_210 = arith.subi %sign3A_206, %sign3A_209 : i32
        %sign3A_211 = arith.constant 0 : i32
        %sign3A_212 = arith.cmpi sgt, %jit3A, %sign3A_211 : i32
        %sign3A_213 = arith.extui %sign3A_212 : i1 to i32
        %sign3A_214 = arith.constant 0 : i32
        %sign3A_215 = arith.cmpi slt, %jit3A, %sign3A_214 : i32
        %sign3A_216 = arith.extui %sign3A_215 : i1 to i32
        %sign3A_217 = arith.subi %sign3A_213, %sign3A_216 : i32
        %ne3A = arith.cmpi ne, %sign3A_210, %sign3A_217 : i32
        %rem3A_218 = arith.remsi %scan3A_178, %jit3A : i32
        %ne3A_219 = arith.constant 0 : i32
        %ne3A_220 = arith.cmpi ne, %rem3A_218, %ne3A_219 : i32
        %and3A_221 = arith.andi %ne3A, %ne3A_220 : i1
        %sub3A_222 = arith.constant 1 : i32
        %sub3A_223 = arith.subi %div3A, %sub3A_222 : i32
        %select_n3A_224 = arith.select %and3A_221, %sub3A_223, %div3A : i32
        %mul3A_225 = arith.constant 8 : i32
        %mul3A_226 = arith.muli %select_n3A_224, %mul3A_225 : i32
        %sub3A_227 = arith.subi %scan3A_178, %mul3A_226 : i32
        %mul3A_228 = arith.constant 32768 : i32
        %mul3A_229 = arith.muli %select_n3A_224, %mul3A_228 : i32
        %mul3A_230 = arith.constant 2 : i32
        %mul3A_231 = arith.muli %mul3A_2, %mul3A_230 : i32
        %add3A_232 = arith.addi %mul3A_229, %mul3A_231 : i32
        %mul3A_233 = arith.constant 128 : i32
        %mul3A_234 = arith.muli %sub3A_227, %mul3A_233 : i32
        %add3A_235 = arith.addi %add3A_232, %mul3A_234 : i32
        "tpu.region"() ({
          %run_scoped3A = tpu.sem_alloc : memref<!tpu.dma_semaphore, #tpu.memory_space<semaphore_mem>>
          %dma_start3A_236 = arith.constant 0 : i32
          %dma_start3A_237 = tpu.memref_slice %arg5[%add3A_235, %dma_start3A_236] : memref<163840x64xf32, #tpu.memory_space<hbm>> -> memref<128x64xf32, #tpu.memory_space<hbm>>
          %dma_start3A_238 = arith.constant 0 : i32
          %dma_start3A_239 = tpu.memref_slice %arg5[%add3A_235, %dma_start3A_238] : memref<163840x64xf32, #tpu.memory_space<hbm>> -> memref<128x64xf32, #tpu.memory_space<hbm>>
          tpu.enqueue_dma source(%arg9 : memref<128x64xf32, #tpu.memory_space<vmem>>) target(%dma_start3A_239 : memref<128x64xf32, #tpu.memory_space<hbm>>) target_semaphore(%run_scoped3A : memref<!tpu.dma_semaphore, #tpu.memory_space<semaphore_mem>>)
          %dma_wait3A_240 = arith.constant 0 : i32
          %dma_wait3A_241 = tpu.memref_slice %arg5[%add3A_235, %dma_wait3A_240] : memref<163840x64xf32, #tpu.memory_space<hbm>> -> memref<128x64xf32, #tpu.memory_space<hbm>>
          %dma_wait3A_242 = arith.constant 0 : i32
          %dma_wait3A_243 = tpu.memref_slice %arg5[%add3A_235, %dma_wait3A_242] : memref<163840x64xf32, #tpu.memory_space<hbm>> -> memref<128x64xf32, #tpu.memory_space<hbm>>
          tpu.wait_dma2 semaphore(%run_scoped3A : memref<!tpu.dma_semaphore, #tpu.memory_space<semaphore_mem>>) src(%arg9 : memref<128x64xf32, #tpu.memory_space<vmem>>) dst(%dma_wait3A_243 : memref<128x64xf32, #tpu.memory_space<hbm>>)
          tpu.yield
        }) : () -> ()
      } else {
      }
      %eq3A_194 = arith.constant 1 : i32
      %eq3A_195 = arith.cmpi eq, %rem3A_180, %eq3A_194 : i32
      %convert_element_type3A_196 = arith.extui %eq3A_195 : i1 to i32
      %cond3A_197 = arith.constant 0 : i32
      %cond3A_198 = arith.cmpi ne, %convert_element_type3A_196, %cond3A_197 : i32
      scf.if %cond3A_198 {
        %dma_wait3A = arith.constant 0 : i32
        %dma_wait3A_200 = tpu.memref_slice %arg8[%scan3A_178, %dma_wait3A] : memref<40x128xi32, #tpu.memory_space<vmem>> -> memref<1x128xi32, #tpu.memory_space<vmem>>
        %dma_wait3A_201 = tpu.memref_squeeze %dma_wait3A_200 : memref<1x128xi32, #tpu.memory_space<vmem>> -> memref<128xi32, #tpu.memory_space<vmem>>
        %dma_wait3A_202 = arith.constant 0 : i32
        %dma_wait3A_203 = arith.constant 0 : i32
        %dma_wait3A_204 = tpu.memref_slice %arg2[%dma_wait3A_202, %dma_wait3A_203] : memref<100000x64xf32, #tpu.memory_space<hbm>> -> memref<100000x64xf32, #tpu.memory_space<hbm>>
        tpu.wait_indirect_dma semaphore(%arg12 : memref<!tpu.dma_semaphore, #tpu.memory_space<semaphore_mem>>) src(%dma_wait3A_204 : memref<100000x64xf32, #tpu.memory_space<hbm>>) dst(%arg10 : memref<128x64xf32, #tpu.memory_space<vmem>>)
        %jit3A = arith.constant 8 : i32
        %div3A = arith.divsi %scan3A_178, %jit3A : i32
        %sign3A = arith.constant 0 : i32
        %sign3A_205 = arith.cmpi sgt, %scan3A_178, %sign3A : i32
        %sign3A_206 = arith.extui %sign3A_205 : i1 to i32
        %sign3A_207 = arith.constant 0 : i32
        %sign3A_208 = arith.cmpi slt, %scan3A_178, %sign3A_207 : i32
        %sign3A_209 = arith.extui %sign3A_208 : i1 to i32
        %sign3A_210 = arith.subi %sign3A_206, %sign3A_209 : i32
        %sign3A_211 = arith.constant 0 : i32
        %sign3A_212 = arith.cmpi sgt, %jit3A, %sign3A_211 : i32
        %sign3A_213 = arith.extui %sign3A_212 : i1 to i32
        %sign3A_214 = arith.constant 0 : i32
        %sign3A_215 = arith.cmpi slt, %jit3A, %sign3A_214 : i32
        %sign3A_216 = arith.extui %sign3A_215 : i1 to i32
        %sign3A_217 = arith.subi %sign3A_213, %sign3A_216 : i32
        %ne3A = arith.cmpi ne, %sign3A_210, %sign3A_217 : i32
        %rem3A_218 = arith.remsi %scan3A_178, %jit3A : i32
        %ne3A_219 = arith.constant 0 : i32
        %ne3A_220 = arith.cmpi ne, %rem3A_218, %ne3A_219 : i32
        %and3A_221 = arith.andi %ne3A, %ne3A_220 : i1
        %sub3A_222 = arith.constant 1 : i32
        %sub3A_223 = arith.subi %div3A, %sub3A_222 : i32
        %select_n3A_224 = arith.select %and3A_221, %sub3A_223, %div3A : i32
        %mul3A_225 = arith.constant 8 : i32
        %mul3A_226 = arith.muli %select_n3A_224, %mul3A_225 : i32
        %sub3A_227 = arith.subi %scan3A_178, %mul3A_226 : i32
        %mul3A_228 = arith.constant 32768 : i32
        %mul3A_229 = arith.muli %select_n3A_224, %mul3A_228 : i32
        %mul3A_230 = arith.constant 2 : i32
        %mul3A_231 = arith.muli %mul3A_2, %mul3A_230 : i32
        %add3A_232 = arith.addi %mul3A_229, %mul3A_231 : i32
        %mul3A_233 = arith.constant 128 : i32
        %mul3A_234 = arith.muli %sub3A_227, %mul3A_233 : i32
        %add3A_235 = arith.addi %add3A_232, %mul3A_234 : i32
        "tpu.region"() ({
          %run_scoped3A = tpu.sem_alloc : memref<!tpu.dma_semaphore, #tpu.memory_space<semaphore_mem>>
          %dma_start3A_236 = arith.constant 0 : i32
          %dma_start3A_237 = tpu.memref_slice %arg5[%add3A_235, %dma_start3A_236] : memref<163840x64xf32, #tpu.memory_space<hbm>> -> memref<128x64xf32, #tpu.memory_space<hbm>>
          %dma_start3A_238 = arith.constant 0 : i32
          %dma_start3A_239 = tpu.memref_slice %arg5[%add3A_235, %dma_start3A_238] : memref<163840x64xf32, #tpu.memory_space<hbm>> -> memref<128x64xf32, #tpu.memory_space<hbm>>
          tpu.enqueue_dma source(%arg10 : memref<128x64xf32, #tpu.memory_space<vmem>>) target(%dma_start3A_239 : memref<128x64xf32, #tpu.memory_space<hbm>>) target_semaphore(%run_scoped3A : memref<!tpu.dma_semaphore, #tpu.memory_space<semaphore_mem>>)
          %dma_wait3A_240 = arith.constant 0 : i32
          %dma_wait3A_241 = tpu.memref_slice %arg5[%add3A_235, %dma_wait3A_240] : memref<163840x64xf32, #tpu.memory_space<hbm>> -> memref<128x64xf32, #tpu.memory_space<hbm>>
          %dma_wait3A_242 = arith.constant 0 : i32
          %dma_wait3A_243 = tpu.memref_slice %arg5[%add3A_235, %dma_wait3A_242] : memref<163840x64xf32, #tpu.memory_space<hbm>> -> memref<128x64xf32, #tpu.memory_space<hbm>>
          tpu.wait_dma2 semaphore(%run_scoped3A : memref<!tpu.dma_semaphore, #tpu.memory_space<semaphore_mem>>) src(%arg10 : memref<128x64xf32, #tpu.memory_space<vmem>>) dst(%dma_wait3A_243 : memref<128x64xf32, #tpu.memory_space<hbm>>)
          tpu.yield
        }) : () -> ()
      } else {
      }
      %scan3A_199 = arith.constant 0 : i32
      scf.yield %scan3A_199 : i32
    }
    %scan3A_177 = arith.constant 40 : i32
    return
  }
}

module attributes {stable_mosaic.version = 14 : i64} {
  func.func @_mlp_block(%arg0: i32, %arg1: memref<5x512x128xf32, #tpu.memory_space<vmem>>, %arg2: memref<512x32xf32, #tpu.memory_space<vmem>>, %arg3: memref<512x32xf32, #tpu.memory_space<vmem>>, %arg4: memref<32x256xf32, #tpu.memory_space<vmem>>, %arg5: memref<32x256xf32, #tpu.memory_space<vmem>>, %arg6: memref<5x128x256xf32, #tpu.memory_space<vmem>>, %arg7: memref<1x256xf32, #tpu.memory_space<vmem>>, %arg8: memref<256x128xf32, #tpu.memory_space<vmem>>, %arg9: memref<1x128xf32, #tpu.memory_space<vmem>>, %arg10: memref<128x1xf32, #tpu.memory_space<vmem>>, %arg11: memref<1x1xf32, #tpu.memory_space<vmem>>, %arg12: memref<512x1xf32, #tpu.memory_space<vmem>>) attributes {dimension_semantics = [#tpu.dimension_semantics<arbitrary>], iteration_bounds = array<i64: 32>, scalar_prefetch = 0 : i64, scratch_operands = 0 : i64, tpu.core_type = #tpu.core_type<tc>, window_params = [{transform_indices = @transform_0, window_bounds = array<i64: 5, 512, 128>}, {transform_indices = @transform_1, window_bounds = array<i64: 512, 32>}, {transform_indices = @transform_2, window_bounds = array<i64: 512, 32>}, {pipeline_mode = #tpu.pipeline_mode<synchronous>, transform_indices = @transform_3, window_bounds = array<i64: 32, 256>}, {pipeline_mode = #tpu.pipeline_mode<synchronous>, transform_indices = @transform_4, window_bounds = array<i64: 32, 256>}, {pipeline_mode = #tpu.pipeline_mode<synchronous>, transform_indices = @transform_5, window_bounds = array<i64: 5, 128, 256>}, {pipeline_mode = #tpu.pipeline_mode<synchronous>, transform_indices = @transform_6, window_bounds = array<i64: 1, 256>}, {pipeline_mode = #tpu.pipeline_mode<synchronous>, transform_indices = @transform_7, window_bounds = array<i64: 256, 128>}, {pipeline_mode = #tpu.pipeline_mode<synchronous>, transform_indices = @transform_8, window_bounds = array<i64: 1, 128>}, {pipeline_mode = #tpu.pipeline_mode<synchronous>, transform_indices = @transform_9, window_bounds = array<i64: 128, 1>}, {pipeline_mode = #tpu.pipeline_mode<synchronous>, transform_indices = @transform_10, window_bounds = array<i64: 1, 1>}, {transform_indices = @transform_11, window_bounds = array<i64: 512, 1>}]} {
    %get3A = arith.constant 0 : index
    %get3A_0 = arith.constant 0 : index
    %get3A_1 = vector.load %arg2[%get3A, %get3A_0] : memref<512x32xf32, #tpu.memory_space<vmem>>, vector<512x32xf32>
    %get3A_2 = arith.constant 0 : index
    %get3A_3 = arith.constant 0 : index
    %get3A_4 = vector.load %arg4[%get3A_2, %get3A_3] : memref<32x256xf32, #tpu.memory_space<vmem>>, vector<32x256xf32>
    %dot_general3A = arith.constant dense<0.000000e+00> : vector<512x256xf32>
    %dot_general3A_5 = tpu.matmul %get3A_1, %get3A_4, %dot_general3A {dimension_numbers = #tpu.dot_dimension_numbers<[1], [0], [0], [1], [0, 0, 1, 1], [], []>, transpose_lhs_hint = false} : vector<512x32xf32>, vector<32x256xf32>, vector<512x256xf32> -> vector<512x256xf32>
    %get3A_6 = arith.constant 0 : index
    %get3A_7 = arith.constant 0 : index
    %get3A_8 = vector.load %arg3[%get3A_6, %get3A_7] : memref<512x32xf32, #tpu.memory_space<vmem>>, vector<512x32xf32>
    %get3A_9 = arith.constant 0 : index
    %get3A_10 = arith.constant 0 : index
    %get3A_11 = vector.load %arg5[%get3A_9, %get3A_10] : memref<32x256xf32, #tpu.memory_space<vmem>>, vector<32x256xf32>
    %dot_general3A_12 = arith.constant dense<0.000000e+00> : vector<512x256xf32>
    %dot_general3A_13 = tpu.matmul %get3A_8, %get3A_11, %dot_general3A_12 {dimension_numbers = #tpu.dot_dimension_numbers<[1], [0], [0], [1], [0, 0, 1, 1], [], []>, transpose_lhs_hint = false} : vector<512x32xf32>, vector<32x256xf32>, vector<512x256xf32> -> vector<512x256xf32>
    %add3A = arith.addf %dot_general3A_5, %dot_general3A_13 : vector<512x256xf32>
    %get3A_14 = arith.constant 0 : index
    %get3A_15 = arith.constant 0 : index
    %get3A_16 = arith.constant 0 : index
    %get3A_17 = vector.load %arg1[%get3A_14, %get3A_15, %get3A_16] : memref<5x512x128xf32, #tpu.memory_space<vmem>>, vector<1x512x128xf32>
    %get3A_18 = vector.shape_cast %get3A_17 : vector<1x512x128xf32> to vector<512x128xf32>
    %convert_element_type3A = arith.truncf %get3A_18 : vector<512x128xf32> to vector<512x128xbf16>
    %get3A_19 = arith.constant 0 : index
    %get3A_20 = arith.constant 0 : index
    %get3A_21 = arith.constant 0 : index
    %get3A_22 = vector.load %arg6[%get3A_19, %get3A_20, %get3A_21] : memref<5x128x256xf32, #tpu.memory_space<vmem>>, vector<1x128x256xf32>
    %get3A_23 = vector.shape_cast %get3A_22 : vector<1x128x256xf32> to vector<128x256xf32>
    %convert_element_type3A_24 = arith.truncf %get3A_23 : vector<128x256xf32> to vector<128x256xbf16>
    %dot_general3A_25 = arith.constant dense<0.000000e+00> : vector<512x256xf32>
    %dot_general3A_26 = tpu.matmul %convert_element_type3A, %convert_element_type3A_24, %dot_general3A_25 {dimension_numbers = #tpu.dot_dimension_numbers<[1], [0], [0], [1], [0, 0, 1, 1], [], []>, transpose_lhs_hint = false} : vector<512x128xbf16>, vector<128x256xbf16>, vector<512x256xf32> -> vector<512x256xf32>
    %add3A_27 = arith.addf %add3A, %dot_general3A_26 : vector<512x256xf32>
    %get3A_28 = arith.constant 1 : index
    %get3A_29 = arith.constant 0 : index
    %get3A_30 = arith.constant 0 : index
    %get3A_31 = vector.load %arg1[%get3A_28, %get3A_29, %get3A_30] : memref<5x512x128xf32, #tpu.memory_space<vmem>>, vector<1x512x128xf32>
    %get3A_32 = vector.shape_cast %get3A_31 : vector<1x512x128xf32> to vector<512x128xf32>
    %convert_element_type3A_33 = arith.truncf %get3A_32 : vector<512x128xf32> to vector<512x128xbf16>
    %get3A_34 = arith.constant 1 : index
    %get3A_35 = arith.constant 0 : index
    %get3A_36 = arith.constant 0 : index
    %get3A_37 = vector.load %arg6[%get3A_34, %get3A_35, %get3A_36] : memref<5x128x256xf32, #tpu.memory_space<vmem>>, vector<1x128x256xf32>
    %get3A_38 = vector.shape_cast %get3A_37 : vector<1x128x256xf32> to vector<128x256xf32>
    %convert_element_type3A_39 = arith.truncf %get3A_38 : vector<128x256xf32> to vector<128x256xbf16>
    %dot_general3A_40 = arith.constant dense<0.000000e+00> : vector<512x256xf32>
    %dot_general3A_41 = tpu.matmul %convert_element_type3A_33, %convert_element_type3A_39, %dot_general3A_40 {dimension_numbers = #tpu.dot_dimension_numbers<[1], [0], [0], [1], [0, 0, 1, 1], [], []>, transpose_lhs_hint = false} : vector<512x128xbf16>, vector<128x256xbf16>, vector<512x256xf32> -> vector<512x256xf32>
    %add3A_42 = arith.addf %add3A_27, %dot_general3A_41 : vector<512x256xf32>
    %get3A_43 = arith.constant 2 : index
    %get3A_44 = arith.constant 0 : index
    %get3A_45 = arith.constant 0 : index
    %get3A_46 = vector.load %arg1[%get3A_43, %get3A_44, %get3A_45] : memref<5x512x128xf32, #tpu.memory_space<vmem>>, vector<1x512x128xf32>
    %get3A_47 = vector.shape_cast %get3A_46 : vector<1x512x128xf32> to vector<512x128xf32>
    %convert_element_type3A_48 = arith.truncf %get3A_47 : vector<512x128xf32> to vector<512x128xbf16>
    %get3A_49 = arith.constant 2 : index
    %get3A_50 = arith.constant 0 : index
    %get3A_51 = arith.constant 0 : index
    %get3A_52 = vector.load %arg6[%get3A_49, %get3A_50, %get3A_51] : memref<5x128x256xf32, #tpu.memory_space<vmem>>, vector<1x128x256xf32>
    %get3A_53 = vector.shape_cast %get3A_52 : vector<1x128x256xf32> to vector<128x256xf32>
    %convert_element_type3A_54 = arith.truncf %get3A_53 : vector<128x256xf32> to vector<128x256xbf16>
    %dot_general3A_55 = arith.constant dense<0.000000e+00> : vector<512x256xf32>
    %dot_general3A_56 = tpu.matmul %convert_element_type3A_48, %convert_element_type3A_54, %dot_general3A_55 {dimension_numbers = #tpu.dot_dimension_numbers<[1], [0], [0], [1], [0, 0, 1, 1], [], []>, transpose_lhs_hint = false} : vector<512x128xbf16>, vector<128x256xbf16>, vector<512x256xf32> -> vector<512x256xf32>
    %add3A_57 = arith.addf %add3A_42, %dot_general3A_56 : vector<512x256xf32>
    %get3A_58 = arith.constant 3 : index
    %get3A_59 = arith.constant 0 : index
    %get3A_60 = arith.constant 0 : index
    %get3A_61 = vector.load %arg1[%get3A_58, %get3A_59, %get3A_60] : memref<5x512x128xf32, #tpu.memory_space<vmem>>, vector<1x512x128xf32>
    %get3A_62 = vector.shape_cast %get3A_61 : vector<1x512x128xf32> to vector<512x128xf32>
    %convert_element_type3A_63 = arith.truncf %get3A_62 : vector<512x128xf32> to vector<512x128xbf16>
    %get3A_64 = arith.constant 3 : index
    %get3A_65 = arith.constant 0 : index
    %get3A_66 = arith.constant 0 : index
    %get3A_67 = vector.load %arg6[%get3A_64, %get3A_65, %get3A_66] : memref<5x128x256xf32, #tpu.memory_space<vmem>>, vector<1x128x256xf32>
    %get3A_68 = vector.shape_cast %get3A_67 : vector<1x128x256xf32> to vector<128x256xf32>
    %convert_element_type3A_69 = arith.truncf %get3A_68 : vector<128x256xf32> to vector<128x256xbf16>
    %dot_general3A_70 = arith.constant dense<0.000000e+00> : vector<512x256xf32>
    %dot_general3A_71 = tpu.matmul %convert_element_type3A_63, %convert_element_type3A_69, %dot_general3A_70 {dimension_numbers = #tpu.dot_dimension_numbers<[1], [0], [0], [1], [0, 0, 1, 1], [], []>, transpose_lhs_hint = false} : vector<512x128xbf16>, vector<128x256xbf16>, vector<512x256xf32> -> vector<512x256xf32>
    %add3A_72 = arith.addf %add3A_57, %dot_general3A_71 : vector<512x256xf32>
    %get3A_73 = arith.constant 4 : index
    %get3A_74 = arith.constant 0 : index
    %get3A_75 = arith.constant 0 : index
    %get3A_76 = vector.load %arg1[%get3A_73, %get3A_74, %get3A_75] : memref<5x512x128xf32, #tpu.memory_space<vmem>>, vector<1x512x128xf32>
    %get3A_77 = vector.shape_cast %get3A_76 : vector<1x512x128xf32> to vector<512x128xf32>
    %convert_element_type3A_78 = arith.truncf %get3A_77 : vector<512x128xf32> to vector<512x128xbf16>
    %get3A_79 = arith.constant 4 : index
    %get3A_80 = arith.constant 0 : index
    %get3A_81 = arith.constant 0 : index
    %get3A_82 = vector.load %arg6[%get3A_79, %get3A_80, %get3A_81] : memref<5x128x256xf32, #tpu.memory_space<vmem>>, vector<1x128x256xf32>
    %get3A_83 = vector.shape_cast %get3A_82 : vector<1x128x256xf32> to vector<128x256xf32>
    %convert_element_type3A_84 = arith.truncf %get3A_83 : vector<128x256xf32> to vector<128x256xbf16>
    %dot_general3A_85 = arith.constant dense<0.000000e+00> : vector<512x256xf32>
    %dot_general3A_86 = tpu.matmul %convert_element_type3A_78, %convert_element_type3A_84, %dot_general3A_85 {dimension_numbers = #tpu.dot_dimension_numbers<[1], [0], [0], [1], [0, 0, 1, 1], [], []>, transpose_lhs_hint = false} : vector<512x128xbf16>, vector<128x256xbf16>, vector<512x256xf32> -> vector<512x256xf32>
    %add3A_87 = arith.addf %add3A_72, %dot_general3A_86 : vector<512x256xf32>
    %get3A_88 = arith.constant 0 : index
    %get3A_89 = arith.constant 0 : index
    %get3A_90 = vector.load %arg7[%get3A_88, %get3A_89] : memref<1x256xf32, #tpu.memory_space<vmem>>, vector<1x256xf32>
    %add3A_91 = vector.broadcast %get3A_90 : vector<1x256xf32> to vector<512x256xf32>
    %add3A_92 = arith.addf %add3A_87, %add3A_91 : vector<512x256xf32>
    %max3A = arith.constant 0.000000e+00 : f32
    %max3A_93 = vector.broadcast %max3A : f32 to vector<512x256xf32>
    %max3A_94 = arith.maximumf %add3A_92, %max3A_93 : vector<512x256xf32>
    %get3A_95 = arith.constant 0 : index
    %get3A_96 = arith.constant 0 : index
    %get3A_97 = vector.load %arg8[%get3A_95, %get3A_96] : memref<256x128xf32, #tpu.memory_space<vmem>>, vector<256x128xf32>
    %dot_general3A_98 = arith.constant dense<0.000000e+00> : vector<512x128xf32>
    %dot_general3A_99 = tpu.matmul %max3A_94, %get3A_97, %dot_general3A_98 {dimension_numbers = #tpu.dot_dimension_numbers<[1], [0], [0], [1], [0, 0, 1, 1], [], []>, transpose_lhs_hint = false} : vector<512x256xf32>, vector<256x128xf32>, vector<512x128xf32> -> vector<512x128xf32>
    %get3A_100 = arith.constant 0 : index
    %get3A_101 = arith.constant 0 : index
    %get3A_102 = vector.load %arg9[%get3A_100, %get3A_101] : memref<1x128xf32, #tpu.memory_space<vmem>>, vector<1x128xf32>
    %add3A_103 = vector.broadcast %get3A_102 : vector<1x128xf32> to vector<512x128xf32>
    %add3A_104 = arith.addf %dot_general3A_99, %add3A_103 : vector<512x128xf32>
    %max3A_105 = arith.constant 0.000000e+00 : f32
    %max3A_106 = vector.broadcast %max3A_105 : f32 to vector<512x128xf32>
    %max3A_107 = arith.maximumf %add3A_104, %max3A_106 : vector<512x128xf32>
    %get3A_108 = arith.constant 0 : index
    %get3A_109 = arith.constant 0 : index
    %get3A_110 = vector.load %arg10[%get3A_108, %get3A_109] : memref<128x1xf32, #tpu.memory_space<vmem>>, vector<128x1xf32>
    %dot_general3A_111 = arith.constant dense<0.000000e+00> : vector<512x1xf32>
    %dot_general3A_112 = tpu.matmul %max3A_107, %get3A_110, %dot_general3A_111 {dimension_numbers = #tpu.dot_dimension_numbers<[1], [0], [0], [1], [0, 0, 1, 1], [], []>, transpose_lhs_hint = false} : vector<512x128xf32>, vector<128x1xf32>, vector<512x1xf32> -> vector<512x1xf32>
    %get3A_113 = arith.constant 0 : index
    %get3A_114 = arith.constant 0 : index
    %get3A_115 = vector.load %arg11[%get3A_113, %get3A_114] : memref<1x1xf32, #tpu.memory_space<vmem>>, vector<1x1xf32>
    %add3A_116 = vector.broadcast %get3A_115 : vector<1x1xf32> to vector<512x1xf32>
    %add3A_117 = arith.addf %dot_general3A_112, %add3A_116 : vector<512x1xf32>
    %logistic3A = arith.negf %add3A_117 : vector<512x1xf32>
    %logistic3A_118 = math.exp %logistic3A : vector<512x1xf32>
    %logistic3A_119 = arith.constant 1.000000e+00 : f32
    %logistic3A_120 = vector.broadcast %logistic3A_119 : f32 to vector<512x1xf32>
    %logistic3A_121 = arith.addf %logistic3A_120, %logistic3A_118 : vector<512x1xf32>
    %logistic3A_122 = arith.divf %logistic3A_120, %logistic3A_121 : vector<512x1xf32>
    %swap3A = arith.constant 0 : index
    %swap3A_123 = arith.constant 0 : index
    %swap3A_124 = vector.load %arg12[%swap3A, %swap3A_123] : memref<512x1xf32, #tpu.memory_space<vmem>>, vector<512x1xf32>
    tpu.vector_store %arg12[%swap3A, %swap3A_123], %logistic3A_122 {strides = array<i32>} : memref<512x1xf32, #tpu.memory_space<vmem>>, vector<512x1xf32>,
    return
  }
  func.func @transform_0(%arg0: i32) -> (i32, i32, i32) {
    %c0_i32 = arith.constant 0 : i32
    %c0_i32_0 = arith.constant 0 : i32
    %c0_i32_1 = arith.constant 0 : i32
    return %c0_i32, %arg0, %c0_i32_0 : i32, i32, i32
  }
  func.func @transform_1(%arg0: i32) -> (i32, i32) {
    %c0_i32 = arith.constant 0 : i32
    %c0_i32_0 = arith.constant 0 : i32
    return %arg0, %c0_i32 : i32, i32
  }
  func.func @transform_2(%arg0: i32) -> (i32, i32) {
    %c0_i32 = arith.constant 0 : i32
    %c0_i32_0 = arith.constant 0 : i32
    return %arg0, %c0_i32 : i32, i32
  }
  func.func @transform_3(%arg0: i32) -> (i32, i32) {
    %c0_i32 = arith.constant 0 : i32
    %c0_i32_0 = arith.constant 0 : i32
    %c0_i32_1 = arith.constant 0 : i32
    return %c0_i32, %c0_i32_0 : i32, i32
  }
  func.func @transform_4(%arg0: i32) -> (i32, i32) {
    %c0_i32 = arith.constant 0 : i32
    %c0_i32_0 = arith.constant 0 : i32
    %c0_i32_1 = arith.constant 0 : i32
    return %c0_i32, %c0_i32_0 : i32, i32
  }
  func.func @transform_5(%arg0: i32) -> (i32, i32, i32) {
    %c0_i32 = arith.constant 0 : i32
    %c0_i32_0 = arith.constant 0 : i32
    %c0_i32_1 = arith.constant 0 : i32
    %c0_i32_2 = arith.constant 0 : i32
    return %c0_i32, %c0_i32_0, %c0_i32_1 : i32, i32, i32
  }
  func.func @transform_6(%arg0: i32) -> (i32, i32) {
    %c0_i32 = arith.constant 0 : i32
    %c0_i32_0 = arith.constant 0 : i32
    %c0_i32_1 = arith.constant 0 : i32
    return %c0_i32, %c0_i32_0 : i32, i32
  }
  func.func @transform_7(%arg0: i32) -> (i32, i32) {
    %c0_i32 = arith.constant 0 : i32
    %c0_i32_0 = arith.constant 0 : i32
    %c0_i32_1 = arith.constant 0 : i32
    return %c0_i32, %c0_i32_0 : i32, i32
  }
  func.func @transform_8(%arg0: i32) -> (i32, i32) {
    %c0_i32 = arith.constant 0 : i32
    %c0_i32_0 = arith.constant 0 : i32
    %c0_i32_1 = arith.constant 0 : i32
    return %c0_i32, %c0_i32_0 : i32, i32
  }
  func.func @transform_9(%arg0: i32) -> (i32, i32) {
    %c0_i32 = arith.constant 0 : i32
    %c0_i32_0 = arith.constant 0 : i32
    %c0_i32_1 = arith.constant 0 : i32
    return %c0_i32, %c0_i32_0 : i32, i32
  }
  func.func @transform_10(%arg0: i32) -> (i32, i32) {
    %c0_i32 = arith.constant 0 : i32
    %c0_i32_0 = arith.constant 0 : i32
    %c0_i32_1 = arith.constant 0 : i32
    return %c0_i32, %c0_i32_0 : i32, i32
  }
  func.func @transform_11(%arg0: i32) -> (i32, i32) {
    %c0_i32 = arith.constant 0 : i32
    %c0_i32_0 = arith.constant 0 : i32
    return %arg0, %c0_i32 : i32, i32
  }
}

</mosaic_0001>

<sc_bundles>
// kernel: kernel.4.cloned.1.call-start
scs
__scs_entry_jumppad:
0x0: {  	(pc) =	sbr.rel $0x88, $3  }
0x1: {  	(tag) =	ssettag $0x0;
	lr =	simm.s32 $0x1  }
0x2: {  	[smem:$0x3F96] =	sst lr;
	_ =	strace $0xD0000000  }
0x3: {  	_ = 	snop  }
0x4: {  	_ = 	snop  }
0x5: {  	_ = 	snop  }
0x6: {  	_ = 	snop  }
0x7: {  	_ = 	snop  }
__scs_overlays_trampoline_lowered:
0x8: {  	[smem:$0x3FA5] =	sst s0  }
0x9: {  	[smem:$0x3FA6] =	sst s1  }
0xa: {  	[smem:$0x3FA7] =	sst s2  }
0xb: {  	[smem:$0x3FA8] =	sst s3  }
0xc: {  	[smem:$0x3FA9] =	sst s4  }
0xd: {  	[smem:$0x3FAA] =	sst s5  }
0xe: {  	[smem:$0x3FAB] =	sst s6  }
0xf: {  	[smem:$0x3FAC] =	sst s7  }
0x10: {  	[smem:$0x3FAD] =	sst s8  }
0x11: {  	[smem:$0x3FAE] =	sst s9;
	s0 =	simm.s32 @!p0 $0x0  }
0x12: {  	s1 =	sld [smem:$0x3F94];
	s0 =	simm.s32 @p0 $0x1  }
0x13: {  	[smem:$0x3FAF] =	sst s0;
	s0 =	simm.s32 @!p1 $0x0  }
0x14: {  	s2 =	sld [smem:$0x3F93];
	s0 =	simm.s32 @p1 $0x1  }
0x15: {  	[smem:$0x3FB0] =	sst s0;
	s0 =	simm.s32 @!p2 $0x0  }
0x16: {  	s3 =	sld [smem:$0x3FDB];
	s0 =	simm.s32 @p2 $0x1  }
0x17: {  	s4 =	simm.s32 $0x1BF5;
	[smem:$0x3FB2] =	sst s0  }
0x18: {  	s0 =	sld [smem:$0x3F95];
	_ =	swait.ge [sflag:s4], $0x0  }
0x19: {  	s7 =	sld [smem:$0x3F96]  }
0x1a: {  	s8 =	sadd.s32 $0xFFFFE003, lr  }
0x1b: {  	s9 =	sadd.s32 $0xFFFFFEF7, lr;
	s5 =	simm.s32 $0xFFFFFFFF;
	p2 =	slt.u32 s8, $0xFFFFF086  }
0x1c: {  	p1 =	slt.u32 s9, $0xF7A;
	s5 =	simm.s32 @!p2 $0x0  }
0x1d: {  	s5 =	simm.s32 @p1 $0x1;
	p0 =	seq.s32 s7, s2  }
0x1e: {  	s7 =	smul.u32 @!p0 $0xF7A, s2;
	p2 =	seq.s32 @!p0 s5, $0x0  }
0x1f: {  	s9 =	smul.u32 $0xF7A, s1;
	s8 =	simm.s32 @!p0 $0x1BF5;
	p2 =	por !p2, p0  }
0x20: {  	[sflag:s8] =	ssyncset.s32 @!p0 $0xFFFFF086;
	s6 =	sadd.s32 @!p0 s3, s7;
	s7 =	simm.s32 @!p0 $0x108  }
0x21: {  	s3 =	sadd.s32 s3, s9;
	s6 =	sadd.s32 @!p0 $0x88, s6;
	s7 =	simm.s32 @p2 $0x1082  }
0x22: {  	[simem:s7], [sflag:s8] =	dma.local @!p0 [hbm:s6], $0xF7A  }
0x23: {  	s9 =	sor.u32 $0xD0000000, s2;
	s6 =	simm.s32 $0x108;
	_ =	swait.ge @!p0 [sflag:s8], $0x0  }
0x24: {  	s3 =	sadd.s32 $0x88, s3;
	s6 =	simm.s32 @!p1 $0x1082;
	[sflag:s4] =	ssyncset.s32 $0xFFFFF086  }
0x25: {  	[simem:s6], [sflag:s4] =	dma.local [hbm:s3], $0xF7A  }
0x26: {  	[smem:$0x3F96] =	sst s1;
	(tag) =	ssettag s2;
	_ =	strace s9  }
0x27: {  	s1 =	sld [smem:$0x3FA6]  }
0x28: {  	s2 =	sld [smem:$0x3FA7]  }
0x29: {  	s4 =	sld [smem:$0x3FA9]  }
0x2a: {  	p0 =	seq.s32 s5, $0x0;
	s5 =	sld [smem:$0x3FAA]  }
0x2b: {  	s6 =	sld [smem:$0x3FAB]  }
0x2c: {  	s7 =	sld [smem:$0x3FAC]  }
0x2d: {  	s3 =	simm.s32 $0x108;
	s8 =	sld [smem:$0x3FAD]  }
0x2e: {  	s3 =	simm.s32 @!p0 $0x1082;
	s9 =	sld [smem:$0x3FAE]  }
0x2f: {  	lr =	sadd.s32 s0, s3;
	s0 =	sld [smem:$0x3FA5]  }
0x30: {  	s3 =	sld [smem:$0x3FA8]  }
0x31: {  	[smem:$0x3FB1] =	sst s10  }
0x32: {  	s10 =	sld [smem:$0x3FAF];
	_ =	sdelay $0x3  }
0x33: {  	p0 =	seq.s32 s10, $0x1;
	s10 =	sld [smem:$0x3FB1];
	_ =	sdelay $0x3  }
0x34: {  	[smem:$0x3FB1] =	sst s10  }
0x35: {  	s10 =	sld [smem:$0x3FB0];
	_ =	sdelay $0x3  }
0x36: {  	p1 =	seq.s32 s10, $0x1;
	s10 =	sld [smem:$0x3FB1];
	_ =	sdelay $0x3  }
0x37: {  	[smem:$0x3FB1] =	sst s10  }
0x38: {  	s10 =	sld [smem:$0x3FB2]  }
0x39: {  	_ = 	snop;
	(pc) =	sbr.ind lr, $3  }
0x3a: {  	_ = 	snop  }
0x3b: {  	_ = 	snop  }
0x3c: {  	p2 =	seq.s32 s10, $0x1;
	s10 =	sld [smem:$0x3FB1]  }
0x3d: {  	_ =	shalt  }
0x3e: {  	_ =	shalt  }
0x3f: {  	_ =	shalt  }
0x40: {  	_ =	shalt  }
0x41: {  	_ =	shalt  }
0x42: {  	_ =	shalt  }
0x43: {  	_ =	shalt  }
0x44: {  	_ =	shalt  }
0x45: {  	_ =	shalt  }
0x46: {  	_ =	shalt  }
0x47: {  	_ =	shalt  }
0x48: {  	_ =	shalt  }
0x49: {  	_ =	shalt  }
0x4a: {  	_ =	shalt  }
0x4b: {  	_ =	shalt  }
0x4c: {  	_ =	shalt  }
0x4d: {  	_ =	shalt  }
0x4e: {  	_ =	shalt  }
0x4f: {  	_ =	shalt  }
0x50: {  	_ =	shalt  }
0x51: {  	_ =	shalt  }
0x52: {  	_ =	shalt  }
0x53: {  	_ =	shalt  }
0x54: {  	_ =	shalt  }
0x55: {  	_ =	shalt  }
0x56: {  	_ =	shalt  }
0x57: {  	_ =	shalt  }
0x58: {  	_ =	shalt  }
0x59: {  	_ =	shalt  }
0x5a: {  	_ =	shalt  }
0x5b: {  	_ =	shalt  }
0x5c: {  	_ =	shalt  }
0x5d: {  	_ =	shalt  }
0x5e: {  	_ =	shalt  }
0x5f: {  	_ =	shalt  }
0x60: {  	_ =	shalt  }
0x61: {  	_ =	shalt  }
0x62: {  	_ =	shalt  }
0x63: {  	_ =	shalt  }
0x64: {  	_ =	shalt  }
0x65: {  	_ =	shalt  }
0x66: {  	_ =	shalt  }
0x67: {  	_ =	shalt  }
0x68: {  	_ =	shalt  }
0x69: {  	_ =	shalt  }
0x6a: {  	_ =	shalt  }
0x6b: {  	_ =	shalt  }
0x6c: {  	_ =	shalt  }
0x6d: {  	_ =	shalt  }
0x6e: {  	_ =	shalt  }
0x6f: {  	_ =	shalt  }
0x70: {  	_ =	shalt  }
0x71: {  	_ =	shalt  }
0x72: {  	_ =	shalt  }
0x73: {  	_ =	shalt  }
0x74: {  	_ =	shalt  }
0x75: {  	_ =	shalt  }
0x76: {  	_ =	shalt  }
0x77: {  	_ =	shalt  }
0x78: {  	_ =	shalt  }
0x79: {  	_ =	shalt  }
0x7a: {  	_ =	shalt  }
0x7b: {  	_ =	shalt  }
0x7c: {  	_ =	shalt  }
0x7d: {  	_ =	shalt  }
0x7e: {  	_ =	shalt  }
0x7f: {  	_ =	shalt  }
0x80: {  	_ =	shalt  }
0x81: {  	_ =	shalt  }
0x82: {  	_ =	shalt  }
0x83: {  	_ =	shalt  }
0x84: {  	_ =	shalt  }
0x85: {  	_ =	shalt  }
0x86: {  	_ =	shalt  }
0x87: {  	_ =	shalt  }
.Lfunc_end0:
.L_simem_size_0:
called_computation_lowered:
.L_overlay_start_0:
0x88: {  	s2 =	sld [smem:$0x3FD9]  }
0x89: {  	s3 =	sld [smem:$0x3FFE];
	_ =	sdelay $0x1  }
0x8a: {  	s1 =	srdreg.scid  }
0x8b: {  	s0 =	sand.u32 $0x1, s1  }
0x8c: {  	s16 =	sshll.u32 s0, $0xA;
	s2 =	sadd.s32 s3, s2  }
0x8d: {  	s2 =	sadd.s32 s2, s16  }
0x8e: {  	[smem:$0x3FBD] =	sst s2  }
0x8f: {  	_ = 	snop  }
0x90: {  	(tm) =	ssettm $0x1  }
0x91: {  	s17 =	sld [smem:$0x3FFB];
	_ =	sdelay $0x3  }
0x92: {  	_ =	strace s17  }
0x93: {  	s2 =	sld [smem:$0x3FFC];
	_ =	sdelay $0x3  }
0x94: {  	_ =	strace s2  }
0x95: {  	s2 =	sld [smem:$0x3FFD];
	_ =	sdelay $0x3  }
0x96: {  	_ =	strace s2  }
0x97: {  	_ =	strace $0x8FFFFFFF  }
0x98: {  	s18 =	sld [smem:$0x3FDB];
	_ =	sdelay $0x1  }
0x99: {  	s19 =	simm.s32 $_scs_section_size  }
0x9a: {  	s4 =	simm.s32 $_size__tile_overlayer_lowered;
	s5 =	simm.s32 $_tile_overlayer_lowered  }
0x9b: {  	s22 =	simm.s32 $0x1BFF;
	s21 =	sshll.u32 s5, $0x1;
	s2 =	sadd.s32 s19, s18  }
0x9c: {  	s6 =	simm.s32 $0x0;
	s20 =	sshll.u32 s4, $0x1;
	s4 =	sadd.s32 s21, s2  }
0x9d: {  	[timem:s6], [sflag:s22] =	dma.local [hbm:s4], s20  }
0x9e: {  	_ =	swait.ge [sflag:s22], s20  }
0x9f: {  	s3 =	ssub.s32 $0x0, s20;
	[sflag:s22] =	ssyncset.done $0x0  }
0xa0: {  	[sflag:s22] =	ssyncadd.s32 s3;
	_ =	sdelay $0x1  }
0xa1: {  	s23 =	simm.s32 $0x1B8B  }
0xa2: {  	_ =	swait.ge [sflag:s23], $0x1  }
0xa3: {  	[sflag:s23] =	ssyncset.done $0x0  }
0xa4: {  	s25 =	simm.s32 $0x1B8E;
	s24 =	sld [smem:$0x3FFE];
	[sflag:s23] =	ssyncadd.s32 $0xFFFFFFFF  }
0xa5: {  	s26 =	simm.s32 $execute0_lowered;
	[smem:$0x3FD2] =	sst s25  }
0xa6: {  	s4 =	sshll.u32 s26, $0x1;
	_ =	strace $0x80000046;
	[dreg:$0x1] =	wrdreg $0xFFFFFFFF  }
0xa7: {  	s28 =	simm.s32 $_size_execute0_lowered;
	s2 =	sadd.s32 s2, s4;
	[dreg:$0x0] =	wrdreg $0x0  }
0xa8: {  	s4 =	sshll.u32 s28, $0x1;
	[dreg:$0x2] =	wrdreg s2  }
0xa9: {  	[dreg:$0x3] =	wrdreg s4  }
0xaa: {  	[dreg:$0x4] =	wrdreg $0xC0  }
0xab: {  	_ =	task [dreg:s6], $0x5FFFF  }
0xac: {  	[dreg:$0x1] =	wrdreg $0xFFFFFFFF  }
0xad: {  	[dreg:$0x0] =	wrdreg $0x60  }
0xae: {  	[dreg:$0x2] =	wrdreg s24  }
0xaf: {  	[dreg:$0x3] =	wrdreg $0x9  }
0xb0: {  	_ =	task.clear_ibuf [dreg:s6], $0x4FFFF;
	_ =	strace $0x90000046  }
0xb1: {  	s29 =	simm.s32 $0x9;
	_ =	strace $0x80000048  }
0xb2: {  	_ =	swait.ge [sflag:s29], $0x1  }
0xb3: {  	[sflag:s29] =	ssyncadd.s32 $0xFFFFFFFF  }
0xb4: {  	_ =	strace $0x90000048  }
0xb5: {  	_ =	sfence  }
0xb6: {  	s30 =	sld [smem:$0x0];
	_ =	sdelay $0x2  }
0xb7: {  	s31 =	sshll.u32 s1, $0xD;
	s1 =	sshrl.u32 s1, $0x2  }
0xb8: {  	s3 =	sand.u32 $0x4000, s31;
	s1 =	sadd.s32 s1, s30  }
0xb9: {  	s0 =	sor.u32 s3, s0;
	s1 =	sshll.u32 s1, $0x11  }
0xba: {  	s0 =	sor.u32 s1, s0  }
0xbb: {  	s0 =	sadd.s32 $0x8F2B, s0  }
0xbc: {  	[sflag:s0] =	ssyncadd.remote.s32 $0x1  }
0xbd: {  	_ =	sfence.sel $0xFFFF  }
0xbe: {  	[dreg:$0x0] =	wrdreg $0xFFFFFFFF;
	(pc) =	sbr.abs _section_cstart, $3  }
0xbf: {  	[dreg:$0x1] =	wrdreg $0xFFFFFFFF  }
0xc0: {  	_ =	task.clear_ibuf [dreg:s6], $0x2FFFF;
	_ =	strace $0x9FFFFFFF  }
0xc1: {  	(tm) =	ssettm $0x7FFFFFFF  }
tec
execute0_lowered:
.L_overlay_start_1:
0x0: {  	(tag) =	ssettag $0x1  }
0x1: {  	v0 =	vimm.s32 $0xFBA6510;
	v1 =	vimm.s32 $0x10191514  }
0x2: {  	vm0 =	vcmask $0x1B00;
	v2 =	vimm.s32 $0x1A231F1E;
	vm9 =	vcmask $0x2B1C  }
0x3: {  	vm10 =	vcmask $0x3B2C;
	v3 =	vimm.s32 $0x2E2D2928;
	v4 =	vimm.s32 $0x38373332  }
0x4: {  	vm11 =	vcmask $0x1F10;
	v5 =	vimm.s32 $0x74736F6E;
	v6 =	vimm.s32 $0x605F5B5A  }
0x5: {  	v7 =	vimm.s32 $0x92918D8C;
	v8 =	vimm.s32 $0x9C9B9796;
	v9 =	vimm.s32 $0x7E7D7978  }
0x6: {  	v10 =	vimm.s32 $0x88878382;
	v62 =	vimm.s32 $0xECEBE7E6;
	v0 =	vunpack.c.l.s4.s8 v0  }
0x7: {  	v63 =	vimm.s32 $0xCECDC9C8;
	v11 =	vimm.s32 $0xD8D7D3D2;
	v12 =	vimm.s32 $0xF6F5F1F0  }
0x8: {  	vm12 =	vcmask $0xF00;
	vm1 =	vcmask $0x300;
	v0 =	vunpack.c.0.s8.s32 v0  }
0x9: {  	vm13 =	vcmask $0x704;
	vm14 =	vcmask $0xB08;
	vm15 =	vcmask $0xF0C  }
0xa: {  	v1 =	vunpack.c.0.s8.s32 v1;
	v2 =	vunpack.c.0.s8.s32 v2;
	v0 =	vand.u32 $0xF, v0  }
0xb: {  	v3 =	vunpack.c.0.s8.s32 v3;
	v4 =	vunpack.c.0.s8.s32 v4;
	v0 =	vnsel vm0, $0x24, v0  }
0xc: {  	v6 =	vunpack.c.0.s8.s32 v6;
	v7 =	vunpack.c.0.s8.s32 v7;
	v0 =	vsel vm9, v1, v0  }
0xd: {  	v1 =	vimm.s32 $0x42413D3C;
	v0 =	vsel vm10, v2, v0;
	v2 =	vimm.s32 $0x4C4B4746  }
0xe: {  	v8 =	vunpack.c.0.s8.s32 v8;
	v1 =	vunpack.c.0.s8.s32 v1;
	v2 =	vunpack.c.0.s8.s32 v2  }
0xf: {  	v3 =	vsel vm11, v4, v3;
	v4 =	vunpack.c.0.s8.s32 v5;
	v5 =	vimm.s32 $0x56555150  }
0x10: {  	v5 =	vunpack.c.0.s8.s32 v5;
	v1 =	vsel vm11, v2, v1;
	v2 =	vimm.s32 $0x6A696564  }
0x11: {  	v9 =	vunpack.c.0.s8.s32 v9;
	v10 =	vunpack.c.0.s8.s32 v10;
	v2 =	vunpack.c.0.s8.s32 v2  }
0x12: {  	v11 =	vunpack.c.0.s8.s32 v11;
	v1 =	vcombine.low v3, v1;
	v3 =	vsel vm11, v6, v5  }
0x13: {  	v5 =	vimm.s32 $0xC4C3BFBE;
	v6 =	vimm.s32 $0xA6A5A1A0;
	v2 =	vsel vm11, v4, v2  }
0x14: {  	v4 =	vsel vm11, v10, v9;
	v2 =	vcombine.low v3, v2;
	v3 =	vsel vm11, v8, v7  }
0x15: {  	v5 =	vunpack.c.0.s8.s32 v5;
	v3 =	vcombine.low v4, v3;
	v4 =	vimm.s32 $0xBAB9B5B4  }
0x16: {  	v6 =	vunpack.c.0.s8.s32 v6;
	v7 =	vimm.s32 $0xB0AFABAA;
	v4 =	vunpack.c.0.s8.s32 v4  }
0x17: {  	v10 =	vunpack.c.0.s8.s32 v63;
	v8 =	vimm.s32 $0xE2E1DDDC;
	v7 =	vunpack.c.0.s8.s32 v7  }
0x18: {  	v9 =	vunpack.c.0.s8.s32 v62;
	v8 =	vunpack.c.0.s8.s32 v8;
	v4 =	vsel vm11, v5, v4  }
0x19: {  	v5 =	vsel vm11, v7, v6;
	v6 =	vunpack.c.0.s8.s32 v12;
	v7 =	vsel vm11, v11, v10  }
0x1a: {  	v4 =	vcombine.low v5, v4;
	v5 =	vsel vm11, v9, v8;
	v8 =	vimm.s32 $0x13C  }
0x1b: {  	v5 =	vcombine.low v7, v5;
	v7 =	vimm.s32 $0xFFFBFA;
	v8 =	vsel vm1, $0x118, v8  }
0x1c: {  	vm4 =	vcmask $0x1B10;
	v7 =	vunpack.c.0.s8.s32 v7;
	v8 =	vsel vm13, $0x119, v8  }
0x1d: {  	vm5 =	vcmask $0x1310;
	v6 =	vand.u32 $0xFF, v6;
	v8 =	vsel vm14, $0x11D, v8  }
0x1e: {  	s4 =	rddreg [dreg:$0x0];
	v6 =	vnsel vm12, $0x114, v6;
	v7 =	vand.u32 $0xFF, v7;
	v8 =	vsel vm15, $0x11E, v8  }
0x1f: {  	s0 =	rddreg [dreg:$0x1];
	vm6 =	vcmask $0x1714;
	v6 =	vsel vm4, v7, v6;
	v7 =	vsel vm5, $0x122, v8  }
0x20: {  	s3 =	srdreg.scid;
	s1 =	stileid.u32;
	s2 =	simm.s32 $0x0;
	vm7 =	vcmask $0x1B18;
	vm8 =	vcmask $0x1F1C;
	v7 =	vsel vm6, $0x123, v7  }
0x21: {  	s11 =	simm.s32 $0x80;
	s12 =	simm.s32 $0x1400;
	s13 =	simm.s32 $0x2800;
	vm9 =	vcmask $0x2320;
	vm10 =	vcmask $0x2724;
	v7 =	vsel vm7, $0x127, v7  }
0x22: {  	s14 =	simm.s32 $0x1;
	s15 =	simm.s32 $0x2;
	s16 =	simm.s32 $0x4800;
	v3 =	vand.u32 $0xFF, v3;
	v6 =	vsel vm8, $0x100, v6;
	v7 =	vsel vm8, $0x128, v7  }
0x23: {  	s17 =	simm.s32 $0x0;
	s6 =	sand.u32 $0x1, s3;
	s30 =	sshll.u32 s1, $0x1;
	vm11 =	vcmask $0x2B28;
	v6 =	vsel vm9, $0x104, v6;
	v7 =	vsel vm9, $0x12C, v7  }
0x24: {  	[smem:$0x7FF] =	sst s2;
	s31 =	sshll.u32 s1, $0xE;
	s3 =	sor.u32 s6, s30;
	v4 =	vand.u32 $0xFF, v4;
	v6 =	vsel vm10, $0x105, v6;
	v7 =	vsel vm10, $0x12D, v7  }
0x25: {  	_ =	strace $0x80000047;
	s7 =	ssub.s32 $0x2, s6;
	s10 =	sshll.u32 s6, $0xD;
	vm12 =	vcmask $0x2F2C;
	v6 =	vsel vm11, $0x109, v6;
	v7 =	vsel vm11, $0x131, v7  }
0x26: {  	s5 =	smul.u32 $0x140, s3;
	s3 =	sadd.s32 $0x188200, s4;
	s8 =	sshrl.u32 s7, $0x1;
	vm13 =	vcmask $0x3330;
	v6 =	vsel vm12, $0x10A, v6;
	v7 =	vsel vm12, $0x132, v7  }
0x27: {  	s7 =	ssub.s32 s7, s8;
	s8 =	sor.u32 s10, s31;
	s10 =	simm.s32 $0xA00;
	vm14 =	vcmask $0x3734;
	v6 =	vsel vm13, $0x10E, v6;
	v7 =	vsel vm13, $0x136, v7  }
0x28: {  	s9 =	sadd.s32 s5, s4;
	s4 =	sadd.s32 $0x6800, s4;
	s7 =	smax.u32 s7, $0x1;
	vm15 =	vcmask $0x3B38;
	v6 =	vsel vm14, $0x10F, v6;
	v7 =	vsel vm14, $0x137, v7  }
0x29: {  	s5 =	sadd.s32 $0x1800, s9;
	s6 =	sadd.s32 $0x4000, s9;
	s9 =	simm.s32 $0x3;
	v5 =	vand.u32 $0xFF, v5;
	v6 =	vsel vm15, $0x113, v6;
	v7 =	vsel vm15, $0x13B, v7  }
.LBB2_1:
0x2a: {  	[tilespmem:s2], [sflag:$0x3] =	stream.linear.gather [hbm4b:s5+s2], $0xA00, $0x38;
	[tilespmem:$0x6800] =	vst v63  }
0x2b: {  	_ =	swait.ge [sflag:s9], $0xA00  }
0x2c: {  	[sflag:s9] =	ssyncset.done $0x0  }
0x2d: {  	[sflag:s9] =	ssyncadd.s32 $0xFFFFF600  }
0x2e: {  	[tilespmem:s10], [sflag:$0x3] =	stream.linear.gather [hbm4b:s6+s2], $0xA00, $0x38;
	[tilespmem:$0x6800] =	vst v63  }
0x2f: {  	_ =	swait.ge [sflag:s9], $0xA00  }
0x30: {  	[sflag:s9] =	ssyncset.done $0x0  }
0x31: {  	[sflag:s9] =	ssyncadd.s32 $0xFFFFF600  }
0x32: {  	v8 =	vld.idx.msk [tilespmem:v0+s2+$0x0], $0xffff;
	_ =	sdelay $0x4  }
0x33: {  	[tilespmem:$0x1400] =	vst v8  }
0x34: {  	v8 =	vld.idx.msk [tilespmem:v1+s2+$0x0], $0xffff;
	_ =	sdelay $0x4  }
0x35: {  	[tilespmem:$0x1410] =	vst v8  }
0x36: {  	v8 =	vld.idx.msk [tilespmem:v2+s2+$0x0], $0xffff;
	_ =	sdelay $0x4  }
0x37: {  	[tilespmem:$0x1420] =	vst v8  }
0x38: {  	v8 =	vld.idx.msk [tilespmem:v3+s2+$0x0], $0xffff;
	_ =	sdelay $0x4  }
0x39: {  	[tilespmem:$0x1430] =	vst v8  }
0x3a: {  	v8 =	vld.idx.msk [tilespmem:v4+s2+$0x0], $0xffff;
	_ =	sdelay $0x4  }
0x3b: {  	[tilespmem:$0x1440] =	vst v8  }
0x3c: {  	v8 =	vld.idx.msk [tilespmem:v5+s2+$0x0], $0xffff;
	_ =	sdelay $0x4  }
0x3d: {  	[tilespmem:$0x1450] =	vst v8  }
0x3e: {  	v8 =	vld.idx.msk [tilespmem:v6+s2+$0x0], $0xffff;
	_ =	sdelay $0x4  }
0x3f: {  	[tilespmem:$0x1460] =	vst v8  }
0x40: {  	v8 =	vld.idx.msk [tilespmem:v7+s2+$0x0], $0xffff;
	_ =	sdelay $0x3  }
0x41: {  	s18 =	simm.s32 $0x1480;
	s19 =	simm.s32 $0x40  }
0x42: {  	s20 =	simm.s32 $0x1;
	s21 =	smov.u32 s8;
	s22 =	simm.s32 $0x0;
	[tilespmem:$0x1470] =	vst v8  }
0x43: {  	[tilespmem:s13], [sflag:$0x1] =	stream.indirect.gather [hbm4b:s3+s11], $0x40, s12, s11, $0xb8;
	[tilespmem:$0x6800] =	vst v63  }
.LBB2_2:
0x44: {  	s24 =	sshll.u32 s20, $0x6  }
0x45: {  	s23 =	smov.u32 s22;
	s30 =	sand.u32 $0xFFFFFE00, s24  }
0x46: {  	p0 =	seq.s32 s23, $0x27;
	s22 =	ssub.s32 s19, s30  }
0x47: {  	v8 =	vmov @!p0 s22  }
0x48: {  	v9 =	vlaneseq.u32 @!p0;
	s22 =	sadd.s32 $0x1, s23;
	v8 =	vmul.u32 @!p0 $0x5, v8  }
0x49: {  	v10 =	vand.u32 @!p0 $0x1, v9;
	v9 =	vshrl.u32 @!p0 v9, $0x1;
	s24 =	sshrl.u32 @!p0 s22, $0x2  }
0x4a: {  	v11 =	vadd.s32 @!p0 $0xFFFFFFFB, v10;
	v9 =	vmul.u32 @!p0 $0x5, v9;
	s24 =	sand.u32 @!p0 $0x3FFFFFFE, s24;
	v8 =	vbroadcast @!p0 v8, $0x0  }
0x4b: {  	v10 =	vor.u32 @!p0 s24, v10;
	v11 =	vadd.s32 @!p0 s24, v11  }
0x4c: {  	v12 =	vmin.u32 @!p0 v10, $0x4;
	vm0 =	vgt.s32 @!p0 v11, $0x0;
	v13 =	vor.u32 @!p0 v9, v8  }
0x4d: {  	v11 =	vnsel @!p0 vm0, $0x0, v11;
	v14 =	vadd.s32 @!p0 v12, v13  }
0x4e: {  	v13 =	vadd.s32 @!p0 v11, v13;
	_ =	sdelay $0x2  }
0x4f: {  	s24 =	simm.s32 @!p0 $0x0  }
0x50: {  	s25 =	simm.s32 @!p0 $0xA00;
	v14 =	vld.idx.msk @!p0 [tilespmem:v14+s24+$0x0], $0xffff  }
0x51: {  	v15 =	vadd.s32 @!p0 $0x28, v9;
	v13 =	vld.idx.msk @!p0 [tilespmem:v13+s25+$0x0], $0xffff  }
0x52: {  	v15 =	vadd.s32 @!p0 v15, v8  }
0x53: {  	v16 =	vadd.s32 @!p0 v12, v15  }
0x54: {  	v15 =	vadd.s32 @!p0 v11, v15  }
0x55: {  	vm0 =	vlt.u32 @!p0 v10, $0x5  }
0x56: {  	v10 =	vsel @!p0 vm0, v14, v13  }
0x57: {  	[tilespmem:s18+$0x0] =	vst @!p0 v10  }
0x58: {  	v10 =	vld.idx.msk @!p0 [tilespmem:v16+s24+$0x0], $0xffff  }
0x59: {  	v14 =	vadd.s32 @!p0 $0x50, v9;
	v13 =	vld.idx.msk @!p0 [tilespmem:v15+s25+$0x0], $0xffff  }
0x5a: {  	v14 =	vadd.s32 @!p0 v14, v8  }
0x5b: {  	v15 =	vadd.s32 @!p0 v12, v14  }
0x5c: {  	v14 =	vadd.s32 @!p0 v11, v14;
	_ =	sdelay $0x1  }
0x5d: {  	v10 =	vsel @!p0 vm0, v10, v13  }
0x5e: {  	[tilespmem:s18+$0x10] =	vst @!p0 v10  }
0x5f: {  	v10 =	vld.idx.msk @!p0 [tilespmem:v15+s24+$0x0], $0xffff  }
0x60: {  	v13 =	vld.idx.msk @!p0 [tilespmem:v14+s25+$0x0], $0xffff;
	v14 =	vadd.s32 @!p0 $0x78, v9  }
0x61: {  	v14 =	vadd.s32 @!p0 v14, v8  }
0x62: {  	v15 =	vadd.s32 @!p0 v12, v14  }
0x63: {  	v14 =	vadd.s32 @!p0 v11, v14;
	_ =	sdelay $0x1  }
0x64: {  	v10 =	vsel @!p0 vm0, v10, v13  }
0x65: {  	[tilespmem:s18+$0x20] =	vst @!p0 v10  }
0x66: {  	v10 =	vld.idx.msk @!p0 [tilespmem:v15+s24+$0x0], $0xffff  }
0x67: {  	v13 =	vld.idx.msk @!p0 [tilespmem:v14+s25+$0x0], $0xffff;
	v14 =	vadd.s32 @!p0 $0xA0, v9  }
0x68: {  	v14 =	vadd.s32 @!p0 v14, v8  }
0x69: {  	v15 =	vadd.s32 @!p0 v12, v14  }
0x6a: {  	v14 =	vadd.s32 @!p0 v11, v14;
	_ =	sdelay $0x1  }
0x6b: {  	v10 =	vsel @!p0 vm0, v10, v13  }
0x6c: {  	[tilespmem:s18+$0x30] =	vst @!p0 v10  }
0x6d: {  	v10 =	vld.idx.msk @!p0 [tilespmem:v15+s24+$0x0], $0xffff  }
0x6e: {  	v13 =	vld.idx.msk @!p0 [tilespmem:v14+s25+$0x0], $0xffff;
	v14 =	vadd.s32 @!p0 $0xC8, v9  }
0x6f: {  	v14 =	vadd.s32 @!p0 v14, v8  }
0x70: {  	v15 =	vadd.s32 @!p0 v12, v14  }
0x71: {  	v14 =	vadd.s32 @!p0 v11, v14;
	_ =	sdelay $0x1  }
0x72: {  	v10 =	vsel @!p0 vm0, v10, v13  }
0x73: {  	[tilespmem:s18+$0x40] =	vst @!p0 v10  }
0x74: {  	v10 =	vld.idx.msk @!p0 [tilespmem:v15+s24+$0x0], $0xffff  }
0x75: {  	v13 =	vld.idx.msk @!p0 [tilespmem:v14+s25+$0x0], $0xffff;
	v14 =	vadd.s32 @!p0 $0xF0, v9  }
0x76: {  	v14 =	vadd.s32 @!p0 v14, v8  }
0x77: {  	v15 =	vadd.s32 @!p0 v12, v14  }
0x78: {  	v14 =	vadd.s32 @!p0 v11, v14;
	_ =	sdelay $0x1  }
0x79: {  	v10 =	vsel @!p0 vm0, v10, v13  }
0x7a: {  	[tilespmem:s18+$0x50] =	vst @!p0 v10  }
0x7b: {  	v10 =	vld.idx.msk @!p0 [tilespmem:v15+s24+$0x0], $0xffff  }
0x7c: {  	v9 =	vadd.s32 @!p0 $0x118, v9;
	v13 =	vld.idx.msk @!p0 [tilespmem:v14+s25+$0x0], $0xffff  }
0x7d: {  	v8 =	vadd.s32 @!p0 v9, v8  }
0x7e: {  	v9 =	vadd.s32 @!p0 v12, v8  }
0x7f: {  	v8 =	vadd.s32 @!p0 v11, v8;
	_ =	sdelay $0x1  }
0x80: {  	v10 =	vsel @!p0 vm0, v10, v13  }
0x81: {  	[tilespmem:s18+$0x60] =	vst @!p0 v10  }
0x82: {  	v9 =	vld.idx.msk @!p0 [tilespmem:v9+s24+$0x0], $0xffff  }
0x83: {  	v8 =	vld.idx.msk @!p0 [tilespmem:v8+s25+$0x0], $0xffff;
	_ =	sdelay $0x2  }
0x84: {  	s24 =	sand.u32 @!p0 $0x1, s22  }
0x85: {  	p1 =	seq.s32 @!p0 s24, $0x1  }
0x86: {  	s31 =	sshrl.u32 s23, $0x3;
	p2 =	por !p1, p0;
	v8 =	vsel @!p0 vm0, v9, v8  }
0x87: {  	p1 =	por p1, p0;
	s24 =	simm.s32 @!p2 $0x80;
	s25 =	simm.s32 @!p2 $0x4800;
	[tilespmem:s18+$0x70] =	vst @!p0 v8  }
0x88: {  	[tilespmem:s25], [sflag:$0x2] =	stream.indirect.gather @!p2 [hbm4b:s3+s24], $0x40, s18, s24, $0xb8;
	[tilespmem:$0x6800] =	vst v63  }
0x89: {  	s23 =	sand.u32 $0x1, s23;
	s26 =	simm.s32 @!p1 $0x2800;
	s25 =	simm.s32 @!p1 $0x80  }
0x8a: {  	[tilespmem:s26], [sflag:$0x1] =	stream.indirect.gather @!p1 [hbm4b:s3+s25], $0x40, s18, s25, $0xb8;
	[tilespmem:$0x6800] =	vst v63  }
0x8b: {  	p1 =	sne.s32 @!p0 s23, $0x0  }
0x8c: {  	s24 =	smul.u32 $0x3E000, s31;
	p0 =	por p0, p1  }
0x8d: {  	_ =	swait.ge @p0 [sflag:s15], $0x2000  }
0x8e: {  	s23 =	sadd.s32 s24, s21;
	[sflag:s15] =	ssyncset.done @p0 $0x0  }
0x8f: {  	s23 =	sadd.s32 @p0 s23, s4;
	[sflag:s15] =	ssyncadd.s32 @p0 $0xFFFFE000  }
0x90: {  	[hbm4b:s23+s2] =	stream.linear.scatter @p0 [tilespmem:s16], [sflag:$0x3], $0x2000, $0x38;
	[tilespmem:$0x6800] =	vst v63  }
0x91: {  	s23 =	simm.s32 @p0 $0x3;
	_ =	swait.ge @!p0 [sflag:s14], $0x2000  }
0x92: {  	s23 =	sand.u32 @!p0 $0x1FFFF800, s23;
	[sflag:s14] =	ssyncset.done @!p0 $0x0  }
0x93: {  	s23 =	sadd.s32 @!p0 s4, s23;
	[sflag:s14] =	ssyncadd.s32 @!p0 $0xFFFFE000  }
0x94: {  	[hbm4b:s23+s2] =	stream.linear.scatter @!p0 [tilespmem:s13], [sflag:$0x4], $0x2000, $0x38;
	[tilespmem:$0x6800] =	vst v63  }
0x95: {  	s23 =	simm.s32 @!p0 $0x4;
	p0 =	sne.s32 s22, $0x28  }
.Ltmp0:
0x96: {  	_ = 	snop;
	(pc) =	sbr.rel @p0 .LBB2_2-.Ltmp0, $4  }
0x97: {  	_ = 	snop  }
0x98: {  	_ =	swait.ge [sflag:s23], $0x2000  }
0x99: {  	s20 =	sadd.s32 $0x1, s20;
	s19 =	sadd.s32 $0x40, s19;
	[sflag:s23] =	ssyncset.done $0x0  }
0x9a: {  	s21 =	sadd.s32 $0x400, s21;
	s18 =	sadd.s32 $0x80, s18;
	[sflag:s23] =	ssyncadd.s32 $0xFFFFE000  }
0x9b: {  	s17 =	sadd.s32 $0x1, s17  }
0x9c: {  	p0 =	sne.s32 s17, s7  }
.Ltmp1:
0x9d: {  	_ = 	snop;
	(pc) =	sbr.rel @p0 .LBB2_1-.Ltmp1, $1  }
0x9e: {  	_ =	sdelay $0x3  }
0x9f: {  	_ =	sfence.sel $0x180000  }
0xa0: {  	[bflag:$0x0] =	sbarrier.arrive $0xFFFF  }
0xa1: {  	p0 =	sne.s32 s1, $0x0;
	_ =	strace $0x90000047  }
0xa2: {  	s0 =	sadd.s32 @!p0 $0x100000, s0;
	[bflag:$0x2] =	sbarrier.arrive $0xFFFF  }
0xa3: {  	[sflag:s0] =	ssyncadd.tile.s32 @!p0 $0x1;
	_ =	shalt  }
.Lfunc_end2:
_tile_overlayer_lowered:
.L_overlay_start_2:
0xa4: {  	(tag) =	ssettag $0x2  }
0xa5: {  	s0 =	rddreg [dreg:$0x0];
	s2 =	stileid.u32  }
0xa6: {  	s1 =	rddreg [dreg:$0x1];
	p0 =	sne.s32 s2, $0x0  }
0xa7: {  	s3 =	rddreg [dreg:$0x2];
	[bflag:$0x3] =	sbarrier.arrive $0xFFFF;
	s2 =	simm.s32 @!p0 $0x1C03  }
0xa8: {  	[timem:s3], [sflag:s2] =	dma.local @!p0 [hbm:s0], s1  }
0xa9: {  	s0 =	simm.s32 @!p0 $0x3  }
0xaa: {  	_ =	swait.ge @!p0 [sflag:s0], s1  }
0xab: {  	s1 =	ssub.s32 @!p0 $0x0, s1;
	[sflag:s0] =	ssyncset.done @!p0 $0x0  }
0xac: {  	[sflag:s0] =	ssyncadd.s32 @!p0 s1  }
0xad: {  	[bflag:$0x3] =	sbarrier.arrive $0xFFFF  }
0xae: {  	_ =	shalt  }

</sc_bundles>
